<compile_context>
chip_gen: v7x
topology: tpu7x:2x2x1
jax: 0.10.2.dev20260603
libtpu: 0.0.44.dev20260713+nightly
codegen_flags: <defaults>
</compile_context>

<pallas_src>
import functools

import jax
import jax.numpy as jnp
from jax import lax
from jax.experimental import pallas as pl
from jax.experimental.pallas import tpu as pltpu
from jax.experimental.pallas import tpu_sc as plsc

N_CORES = 2
N_SUBCORES = 16
NW = N_CORES * N_SUBCORES
LANES = 16
NBUF = 4


def _make_degree_kernel(e_total, n_nodes):
    ew = e_total // NW
    n_iter = ew // LANES
    z_iter = n_nodes // LANES

    @functools.partial(
        pl.kernel,
        out_type=jax.ShapeDtypeStruct((NW * n_nodes,), jnp.float32),
        mesh=plsc.VectorSubcoreMesh(core_axis_name="c", subcore_axis_name="s"),
        scratch_types=[
            pltpu.VMEM((ew,), jnp.int32),
            pltpu.VMEM((n_nodes,), jnp.float32),
        ],
        compiler_params=pltpu.CompilerParams(needs_layout_passes=False),
    )
    def deg_kernel(col_hbm, out_hbm, colbuf, degbuf):
        cid = lax.axis_index("c")
        sid = lax.axis_index("s")
        wid = cid * N_SUBCORES + sid
        pltpu.sync_copy(col_hbm.at[pl.ds(wid * ew, ew)], colbuf)
        zeros16 = jnp.zeros((LANES,), jnp.float32)
        ones16 = jnp.ones((LANES,), jnp.float32)

        def zero_body(i, carry):
            degbuf[pl.ds(i * LANES, LANES)] = zeros16
            return carry

        lax.fori_loop(0, z_iter, zero_body, 0)

        def acc_body(i, carry):
            idx = colbuf[pl.ds(i * LANES, LANES)]
            plsc.addupdate_scatter(degbuf, [idx], ones16)
            return carry

        lax.fori_loop(0, n_iter, acc_body, 0)
        pltpu.sync_copy(degbuf, out_hbm.at[pl.ds(wid * n_nodes, n_nodes)])

    return deg_kernel


def _make_agg_kernel(e_total, k, n_pad, d):
    ew = e_total // NW
    n_chunks = ew // k
    n_outer = (n_chunks + NBUF - 1) // NBUF
    slab = n_pad // N_SUBCORES

    @functools.partial(
        pl.kernel,
        out_type=jax.ShapeDtypeStruct((N_CORES, n_pad, d), jnp.float32),
        mesh=plsc.VectorSubcoreMesh(core_axis_name="c", subcore_axis_name="s"),
        scratch_types=[
            pltpu.VMEM((NBUF, k), jnp.int32),
            pltpu.VMEM((NBUF, k), jnp.int32),
            pltpu.VMEM((NBUF, k, d), jnp.float32),
            pltpu.VMEM_SHARED((n_pad, d), jnp.float32),
            pltpu.SemaphoreType.DMA((NBUF,)),
            pltpu.SemaphoreType.DMA((NBUF,)),
            pltpu.SemaphoreType.DMA((NBUF,)),
            pltpu.SemaphoreType.DMA((NBUF,)),
        ],
        compiler_params=pltpu.CompilerParams(needs_layout_passes=False),
    )
    def agg_kernel(row_hbm, col_hbm, xs_hbm, zeros_hbm, out_hbm,
                   iring, cring, xbufs, agg_sh, isem, csem, gsem, ssem):
        cid = lax.axis_index("c")
        sid = lax.axis_index("s")
        wid = cid * N_SUBCORES + sid
        base = wid * ew
        pltpu.sync_copy(zeros_hbm, agg_sh.at[pl.ds(sid * slab, slab)])
        plsc.subcore_barrier()

        def icopy(j, b):
            return pltpu.make_async_copy(
                row_hbm.at[pl.ds(base + j * k, k)], iring.at[b], isem.at[b])

        def ccopy(j, b):
            return pltpu.make_async_copy(
                col_hbm.at[pl.ds(base + j * k, k)], cring.at[b], csem.at[b])

        def gather(b):
            return pltpu.make_async_copy(
                xs_hbm.at[iring.at[b]], xbufs.at[b], gsem.at[b])

        def scatter(b):
            return pltpu.make_async_copy(
                xbufs.at[b], agg_sh.at[cring.at[b]], ssem.at[b])

        for b in range(NBUF):
            icopy(b, b).start()
            ccopy(b, b).start()
        for b in range(NBUF):
            icopy(b, b).wait()
            gather(b).start()

        def body(jj, carry):
            for b in range(NBUF):
                j = jj * NBUF + b

                @pl.when(j < n_chunks)
                def _():
                    gather(b).wait()
                    ccopy(j, b).wait()
                    scatter(b).start(add=True)
                    nxt = j + NBUF

                    @pl.when(nxt < n_chunks)
                    def _():
                        icopy(nxt, b).start()
                        scatter(b).wait()
                        ccopy(nxt, b).start()
                        icopy(nxt, b).wait()
                        gather(b).start()

            return carry

        lax.fori_loop(0, (n_chunks + NBUF - 1) // NBUF, body, 0)
        for b in range(NBUF):
            scatter(b).wait()
        plsc.subcore_barrier()
        pltpu.sync_copy(agg_sh.at[pl.ds(sid * slab, slab)],
                        out_hbm.at[cid, pl.ds(sid * slab, slab)])

    return agg_kernel


def _prep_body(parts_ref, x_ref, dinv_ref, xs_ref):
    parts = parts_ref[...]
    ones = jnp.ones((parts.shape[0], 1), jnp.float32)
    deg = lax.dot_general(parts, ones, (((0,), (0,)), ((), ())),
                          preferred_element_type=jnp.float32) + 1.0
    dinv = lax.rsqrt(deg)
    dinv_ref[...] = dinv
    xs_ref[...] = dinv * x_ref[...]


def _final_body(p0_ref, p1_ref, xs_ref, dinv_ref, w_ref, b_ref, out_ref):
    acc = (p0_ref[...] + p1_ref[...] + xs_ref[...]) * dinv_ref[...]
    out_ref[...] = jnp.dot(acc, w_ref[...],
                           preferred_element_type=jnp.float32) + b_ref[...]


def kernel(x, edge_index, W, b):
    n, d = x.shape
    h = W.shape[1]
    e = edge_index.shape[1]
    ei = edge_index.astype(jnp.int32)
    row, col = ei[0], ei[1]

    k = 80
    n_pad = ((n + 8 * N_SUBCORES - 1) // (8 * N_SUBCORES)) * 8 * N_SUBCORES

    parts_deg = _make_degree_kernel(e, n)(col).reshape(NW, n)

    dinv, xs = pl.pallas_call(
        _prep_body,
        out_shape=(jax.ShapeDtypeStruct((n, 1), jnp.float32),
                   jax.ShapeDtypeStruct((n, d), jnp.float32)),
    )(parts_deg, x)

    zeros_in = jnp.zeros((n_pad // N_SUBCORES, d), jnp.float32)
    parts = _make_agg_kernel(e, k, n_pad, d)(row, col, xs, zeros_in)

    rb = 1000
    out = pl.pallas_call(
        _final_body,
        grid=(n // rb,),
        in_specs=[
            pl.BlockSpec((rb, d), lambda i: (i, 0)),
            pl.BlockSpec((rb, d), lambda i: (i, 0)),
            pl.BlockSpec((rb, d), lambda i: (i, 0)),
            pl.BlockSpec((rb, 1), lambda i: (i, 0)),
            pl.BlockSpec((d, h), lambda i: (0, 0)),
            pl.BlockSpec((1, h), lambda i: (0, 0)),
        ],
        out_specs=pl.BlockSpec((rb, h), lambda i: (i, 0)),
        out_shape=jax.ShapeDtypeStruct((n, h), jnp.float32),
    )(parts[0], parts[1], xs, dinv, W, b.reshape(1, h))
    return out

# --- scband reference (transcript-rebuilt; emitter-appended) ---
"""Pipeline reference for scband-gcn-33801392620006 (READ-ONLY COPY).

The authoritative reference and input builder live on the scoring server;
editing this copy changes nothing except your own understanding.
"""

import jax, jax.numpy as jnp
import numpy as np

N_NODES = 10000
IN_DIM = 128
HID_DIM = 512


def setup_inputs(seed: int = 0) -> dict:
    key = jax.random.key(seed)
    k1, k2, k3 = jax.random.split(key, 3)
    x = jax.random.normal(k1, (N_NODES, IN_DIM), dtype=jnp.float32)
    edge_index = jax.random.randint(k2, (2, 320000), 0, N_NODES, dtype=jnp.int64)
    # GCNConv linear weight (glorot-style scale) and bias
    W = jax.random.normal(k3, (IN_DIM, HID_DIM), dtype=jnp.float32) * (1.0 / np.sqrt(IN_DIM))
    b = jnp.zeros((HID_DIM,), dtype=jnp.float32)
    return {"x": x, "edge_index": edge_index, "W": W, "b": b}


def reference(x, edge_index, W, b):
    # n_layers == 1 -> single GCNConv(in_dim, hid_dim), no activation
    N = x.shape[0]
    # add self-loops
    loops = jnp.arange(N, dtype=edge_index.dtype)
    ei = jnp.concatenate([edge_index, jnp.stack([loops, loops], axis=0)], axis=1)
    row, col = ei[0], ei[1]
    # symmetric normalization (gcn_norm): deg computed on dst (col)
    deg = jnp.zeros((N,), dtype=jnp.float32).at[col].add(1.0)
    deg_inv_sqrt = jnp.where(deg > 0, 1.0 / jnp.sqrt(deg), 0.0)
    norm = deg_inv_sqrt[row] * deg_inv_sqrt[col]
    # linear transform then propagate
    xw = x @ W
    msg = xw[row] * norm[:, None]
    out = jnp.zeros((N, W.shape[1]), dtype=jnp.float32).at[col].add(msg)
    return out + b

if __name__ == "__main__":
    import jax
    _d = setup_inputs()
    print(jax.jit(kernel)(*tuple(_d.values())))

</pallas_src>

<mosaic_0001>
#map = affine_map<(d0, d1) -> (0)>
module attributes {stable_mosaic.version = 14 : i64} {
  func.func @deg_kernel(%arg0: i32, %arg1: i32, %arg2: memref<320000xi32, #tpu.memory_space<hbm>>, %arg3: memref<320000xf32, #tpu.memory_space<hbm>>, %arg4: memref<10000xi32, #tpu.memory_space<vmem>>, %arg5: memref<10000xf32, #tpu.memory_space<vmem>>) attributes {dimension_semantics = [#tpu.dimension_semantics<core_parallel>, #tpu.dimension_semantics<subcore_parallel>], iteration_bounds = array<i64: 2, 16>, scalar_prefetch = 0 : i64, scratch_operands = 2 : i64, tpu.core_type = #tpu.core_type<sc_vector_subcore>, window_params = [{transform_indices = #map}, {transform_indices = #map}]} {
    %mul3A = arith.constant 16 : i32
    %mul3A_0 = arith.muli %arg0, %mul3A : i32
    %add3A = arith.addi %mul3A_0, %arg1 : i32
    %mul3A_1 = arith.constant 10000 : i32
    %mul3A_2 = arith.muli %add3A, %mul3A_1 : i32
    "tpu.region"() ({
      %run_scoped3A = tpu.sem_alloc : memref<!tpu.dma_semaphore, #tpu.memory_space<semaphore_mem>>
      %dma_start3A = tpu.memref_slice %arg2[%mul3A_2] : memref<320000xi32, #tpu.memory_space<hbm>> -> memref<10000xi32, #tpu.memory_space<hbm>>
      %dma_start3A_19 = tpu.memref_slice %arg2[%mul3A_2] : memref<320000xi32, #tpu.memory_space<hbm>> -> memref<10000xi32, #tpu.memory_space<hbm>>
      tpu.enqueue_dma source(%dma_start3A_19 : memref<10000xi32, #tpu.memory_space<hbm>>) target(%arg4 : memref<10000xi32, #tpu.memory_space<vmem>>) target_semaphore(%run_scoped3A : memref<!tpu.dma_semaphore, #tpu.memory_space<semaphore_mem>>)
      %dma_wait3A = tpu.memref_slice %arg2[%mul3A_2] : memref<320000xi32, #tpu.memory_space<hbm>> -> memref<10000xi32, #tpu.memory_space<hbm>>
      %dma_wait3A_20 = tpu.memref_slice %arg2[%mul3A_2] : memref<320000xi32, #tpu.memory_space<hbm>> -> memref<10000xi32, #tpu.memory_space<hbm>>
      tpu.wait_dma2 semaphore(%run_scoped3A : memref<!tpu.dma_semaphore, #tpu.memory_space<semaphore_mem>>) src(%dma_wait3A_20 : memref<10000xi32, #tpu.memory_space<hbm>>) dst(%arg4 : memref<10000xi32, #tpu.memory_space<vmem>>)
      tpu.yield
    }) : () -> ()
    %broadcast_in_dim3A = arith.constant 0.000000e+00 : f32
    %broadcast_in_dim3A_3 = vector.broadcast %broadcast_in_dim3A : f32 to vector<16xf32>
    %broadcast_in_dim3A_4 = arith.constant 1.000000e+00 : f32
    %broadcast_in_dim3A_5 = vector.broadcast %broadcast_in_dim3A_4 : f32 to vector<16xf32>
    %scan3A = arith.constant 0 : i32
    %scan3A_6 = arith.constant 0 : i32
    %scan3A_7 = arith.constant 625 : i32
    %scan3A_8 = arith.addi %scan3A_6, %scan3A_7 : i32
    %scan3A_9 = arith.constant 1 : i32
    scf.for %scan3A_19 = %scan3A_6 to %scan3A_8 step %scan3A_9  : i32 {
      %mul3A_20 = arith.constant 16 : i32
      %mul3A_21 = arith.muli %scan3A_19, %mul3A_20 : i32
      %swap3A = arith.index_cast %mul3A_21 : i32 to index
      %swap3A_22 = tpu.vector_load %arg5[%swap3A] {strides = array<i32>} : memref<10000xf32, #tpu.memory_space<vmem>>, vector<16xf32>,
      tpu.vector_store %arg5[%swap3A], %broadcast_in_dim3A_3 {strides = array<i32>} : memref<10000xf32, #tpu.memory_space<vmem>>, vector<16xf32>,
    }
    %scan3A_10 = arith.constant 625 : i32
    %scan3A_11 = arith.constant 0 : i32
    %scan3A_12 = arith.constant 0 : i32
    %scan3A_13 = arith.constant 625 : i32
    %scan3A_14 = arith.addi %scan3A_12, %scan3A_13 : i32
    %scan3A_15 = arith.constant 1 : i32
    scf.for %scan3A_19 = %scan3A_12 to %scan3A_14 step %scan3A_15  : i32 {
      %mul3A_20 = arith.constant 16 : i32
      %mul3A_21 = arith.muli %scan3A_19, %mul3A_20 : i32
      %get3A = arith.index_cast %mul3A_21 : i32 to index
      %get3A_22 = tpu.vector_load %arg4[%get3A] {strides = array<i32>} : memref<10000xi32, #tpu.memory_space<vmem>>, vector<16xi32>,
      tpu.vector_store_idx %arg5[%get3A_22], %broadcast_in_dim3A_5 {add = true} : memref<10000xf32, #tpu.memory_space<vmem>>[vector<16xi32>], vector<16xf32>,
    }
    %scan3A_16 = arith.constant 625 : i32
    %mul3A_17 = arith.constant 10000 : i32
    %mul3A_18 = arith.muli %add3A, %mul3A_17 : i32
    "tpu.region"() ({
      %run_scoped3A = tpu.sem_alloc : memref<!tpu.dma_semaphore, #tpu.memory_space<semaphore_mem>>
      %dma_start3A = tpu.memref_slice %arg3[%mul3A_18] : memref<320000xf32, #tpu.memory_space<hbm>> -> memref<10000xf32, #tpu.memory_space<hbm>>
      %dma_start3A_19 = tpu.memref_slice %arg3[%mul3A_18] : memref<320000xf32, #tpu.memory_space<hbm>> -> memref<10000xf32, #tpu.memory_space<hbm>>
      tpu.enqueue_dma source(%arg5 : memref<10000xf32, #tpu.memory_space<vmem>>) target(%dma_start3A_19 : memref<10000xf32, #tpu.memory_space<hbm>>) target_semaphore(%run_scoped3A : memref<!tpu.dma_semaphore, #tpu.memory_space<semaphore_mem>>)
      %dma_wait3A = tpu.memref_slice %arg3[%mul3A_18] : memref<320000xf32, #tpu.memory_space<hbm>> -> memref<10000xf32, #tpu.memory_space<hbm>>
      %dma_wait3A_20 = tpu.memref_slice %arg3[%mul3A_18] : memref<320000xf32, #tpu.memory_space<hbm>> -> memref<10000xf32, #tpu.memory_space<hbm>>
      tpu.wait_dma2 semaphore(%run_scoped3A : memref<!tpu.dma_semaphore, #tpu.memory_space<semaphore_mem>>) src(%arg5 : memref<10000xf32, #tpu.memory_space<vmem>>) dst(%dma_wait3A_20 : memref<10000xf32, #tpu.memory_space<hbm>>)
      tpu.yield
    }) : () -> ()
    return
  }
}

#map = affine_map<(d0, d1) -> (0)>
#map1 = affine_map<(d0, d1) -> (0, 0)>
#map2 = affine_map<(d0, d1) -> (0, 0, 0)>
module attributes {stable_mosaic.version = 14 : i64} {
  func.func @agg_kernel(%arg0: i32, %arg1: i32, %arg2: memref<320000xi32, #tpu.memory_space<hbm>>, %arg3: memref<320000xi32, #tpu.memory_space<hbm>>, %arg4: memref<10000x128xf32, #tpu.memory_space<hbm>>, %arg5: memref<632x128xf32, #tpu.memory_space<hbm>>, %arg6: memref<2x10112x128xf32, #tpu.memory_space<hbm>>, %arg7: memref<4x80xi32, #tpu.memory_space<vmem>>, %arg8: memref<4x80xi32, #tpu.memory_space<vmem>>, %arg9: memref<4x80x128xf32, #tpu.memory_space<vmem>>, %arg10: memref<10112x128xf32, #tpu.memory_space<vmem_shared>>, %arg11: memref<4x!tpu.dma_semaphore, #tpu.memory_space<semaphore_mem>>, %arg12: memref<4x!tpu.dma_semaphore, #tpu.memory_space<semaphore_mem>>, %arg13: memref<4x!tpu.dma_semaphore, #tpu.memory_space<semaphore_mem>>, %arg14: memref<4x!tpu.dma_semaphore, #tpu.memory_space<semaphore_mem>>) attributes {dimension_semantics = [#tpu.dimension_semantics<core_parallel>, #tpu.dimension_semantics<subcore_parallel>], iteration_bounds = array<i64: 2, 16>, scalar_prefetch = 0 : i64, scratch_operands = 8 : i64, tpu.core_type = #tpu.core_type<sc_vector_subcore>, window_params = [{transform_indices = #map}, {transform_indices = #map}, {transform_indices = #map1}, {transform_indices = #map1}, {transform_indices = #map2}]} {
    %mul3A = arith.constant 16 : i32
    %mul3A_0 = arith.muli %arg0, %mul3A : i32
    %add3A = arith.addi %mul3A_0, %arg1 : i32
    %mul3A_1 = arith.constant 10000 : i32
    %mul3A_2 = arith.muli %add3A, %mul3A_1 : i32
    %mul3A_3 = arith.constant 632 : i32
    %mul3A_4 = arith.muli %arg1, %mul3A_3 : i32
    "tpu.region"() ({
      %run_scoped3A = tpu.sem_alloc : memref<!tpu.dma_semaphore, #tpu.memory_space<semaphore_mem>>
      %dma_start3A_301 = arith.constant 0 : i32
      %dma_start3A_302 = tpu.memref_slice %arg10[%mul3A_4, %dma_start3A_301] : memref<10112x128xf32, #tpu.memory_space<vmem_shared>> -> memref<632x128xf32, #tpu.memory_space<vmem_shared>>
      tpu.enqueue_dma source(%arg5 : memref<632x128xf32, #tpu.memory_space<hbm>>) target(%dma_start3A_302 : memref<632x128xf32, #tpu.memory_space<vmem_shared>>) target_semaphore(%run_scoped3A : memref<!tpu.dma_semaphore, #tpu.memory_space<semaphore_mem>>)
      %dma_wait3A_303 = arith.constant 0 : i32
      %dma_wait3A_304 = tpu.memref_slice %arg10[%mul3A_4, %dma_wait3A_303] : memref<10112x128xf32, #tpu.memory_space<vmem_shared>> -> memref<632x128xf32, #tpu.memory_space<vmem_shared>>
      tpu.wait_dma2 semaphore(%run_scoped3A : memref<!tpu.dma_semaphore, #tpu.memory_space<semaphore_mem>>) src(%arg5 : memref<632x128xf32, #tpu.memory_space<hbm>>) dst(%dma_wait3A_304 : memref<632x128xf32, #tpu.memory_space<vmem_shared>>)
      tpu.yield
    }) : () -> ()
    %barrier3A = arith.constant 0 : index
    tpu.barrier barrier_id(%barrier3A)
    %add3A_5 = arith.constant 0 : i32
    %add3A_6 = arith.addi %mul3A_2, %add3A_5 : i32
    %dma_start3A = arith.constant 0 : i32
    %dma_start3A_7 = arith.constant 0 : i32
    %dma_start3A_8 = arith.constant 0 : i32
    %dma_start3A_9 = tpu.memref_slice %arg7[%dma_start3A, %dma_start3A_8] : memref<4x80xi32, #tpu.memory_space<vmem>> -> memref<1x80xi32, #tpu.memory_space<vmem>>
    %dma_start3A_10 = tpu.memref_squeeze %dma_start3A_9 : memref<1x80xi32, #tpu.memory_space<vmem>> -> memref<80xi32, #tpu.memory_space<vmem>>
    %dma_start3A_11 = tpu.memref_slice %arg2[%add3A_6] : memref<320000xi32, #tpu.memory_space<hbm>> -> memref<80xi32, #tpu.memory_space<hbm>>
    %dma_start3A_12 = tpu.memref_slice %arg11[%dma_start3A_7] : memref<4x!tpu.dma_semaphore, #tpu.memory_space<semaphore_mem>> -> memref<1x!tpu.dma_semaphore, #tpu.memory_space<semaphore_mem>>
    %dma_start3A_13 = tpu.memref_squeeze %dma_start3A_12 : memref<1x!tpu.dma_semaphore, #tpu.memory_space<semaphore_mem>> -> memref<!tpu.dma_semaphore, #tpu.memory_space<semaphore_mem>>
    %dma_start3A_14 = arith.constant 0 : i32
    %dma_start3A_15 = tpu.memref_slice %arg7[%dma_start3A, %dma_start3A_14] : memref<4x80xi32, #tpu.memory_space<vmem>> -> memref<1x80xi32, #tpu.memory_space<vmem>>
    %dma_start3A_16 = tpu.memref_squeeze %dma_start3A_15 : memref<1x80xi32, #tpu.memory_space<vmem>> -> memref<80xi32, #tpu.memory_space<vmem>>
    %dma_start3A_17 = tpu.memref_slice %arg2[%add3A_6] : memref<320000xi32, #tpu.memory_space<hbm>> -> memref<80xi32, #tpu.memory_space<hbm>>
    tpu.enqueue_dma source(%dma_start3A_17 : memref<80xi32, #tpu.memory_space<hbm>>) target(%dma_start3A_16 : memref<80xi32, #tpu.memory_space<vmem>>) target_semaphore(%dma_start3A_13 : memref<!tpu.dma_semaphore, #tpu.memory_space<semaphore_mem>>)
    %add3A_18 = arith.constant 0 : i32
    %add3A_19 = arith.addi %mul3A_2, %add3A_18 : i32
    %dma_start3A_20 = arith.constant 0 : i32
    %dma_start3A_21 = arith.constant 0 : i32
    %dma_start3A_22 = arith.constant 0 : i32
    %dma_start3A_23 = tpu.memref_slice %arg8[%dma_start3A_20, %dma_start3A_22] : memref<4x80xi32, #tpu.memory_space<vmem>> -> memref<1x80xi32, #tpu.memory_space<vmem>>
    %dma_start3A_24 = tpu.memref_squeeze %dma_start3A_23 : memref<1x80xi32, #tpu.memory_space<vmem>> -> memref<80xi32, #tpu.memory_space<vmem>>
    %dma_start3A_25 = tpu.memref_slice %arg3[%add3A_19] : memref<320000xi32, #tpu.memory_space<hbm>> -> memref<80xi32, #tpu.memory_space<hbm>>
    %dma_start3A_26 = tpu.memref_slice %arg12[%dma_start3A_21] : memref<4x!tpu.dma_semaphore, #tpu.memory_space<semaphore_mem>> -> memref<1x!tpu.dma_semaphore, #tpu.memory_space<semaphore_mem>>
    %dma_start3A_27 = tpu.memref_squeeze %dma_start3A_26 : memref<1x!tpu.dma_semaphore, #tpu.memory_space<semaphore_mem>> -> memref<!tpu.dma_semaphore, #tpu.memory_space<semaphore_mem>>
    %dma_start3A_28 = arith.constant 0 : i32
    %dma_start3A_29 = tpu.memref_slice %arg8[%dma_start3A_20, %dma_start3A_28] : memref<4x80xi32, #tpu.memory_space<vmem>> -> memref<1x80xi32, #tpu.memory_space<vmem>>
    %dma_start3A_30 = tpu.memref_squeeze %dma_start3A_29 : memref<1x80xi32, #tpu.memory_space<vmem>> -> memref<80xi32, #tpu.memory_space<vmem>>
    %dma_start3A_31 = tpu.memref_slice %arg3[%add3A_19] : memref<320000xi32, #tpu.memory_space<hbm>> -> memref<80xi32, #tpu.memory_space<hbm>>
    tpu.enqueue_dma source(%dma_start3A_31 : memref<80xi32, #tpu.memory_space<hbm>>) target(%dma_start3A_30 : memref<80xi32, #tpu.memory_space<vmem>>) target_semaphore(%dma_start3A_27 : memref<!tpu.dma_semaphore, #tpu.memory_space<semaphore_mem>>)
    %add3A_32 = arith.constant 80 : i32
    %add3A_33 = arith.addi %mul3A_2, %add3A_32 : i32
    %dma_start3A_34 = arith.constant 1 : i32
    %dma_start3A_35 = arith.constant 1 : i32
    %dma_start3A_36 = arith.constant 0 : i32
    %dma_start3A_37 = tpu.memref_slice %arg7[%dma_start3A_34, %dma_start3A_36] : memref<4x80xi32, #tpu.memory_space<vmem>> -> memref<1x80xi32, #tpu.memory_space<vmem>>
    %dma_start3A_38 = tpu.memref_squeeze %dma_start3A_37 : memref<1x80xi32, #tpu.memory_space<vmem>> -> memref<80xi32, #tpu.memory_space<vmem>>
    %dma_start3A_39 = tpu.memref_slice %arg2[%add3A_33] : memref<320000xi32, #tpu.memory_space<hbm>> -> memref<80xi32, #tpu.memory_space<hbm>>
    %dma_start3A_40 = tpu.memref_slice %arg11[%dma_start3A_35] : memref<4x!tpu.dma_semaphore, #tpu.memory_space<semaphore_mem>> -> memref<1x!tpu.dma_semaphore, #tpu.memory_space<semaphore_mem>>
    %dma_start3A_41 = tpu.memref_squeeze %dma_start3A_40 : memref<1x!tpu.dma_semaphore, #tpu.memory_space<semaphore_mem>> -> memref<!tpu.dma_semaphore, #tpu.memory_space<semaphore_mem>>
    %dma_start3A_42 = arith.constant 0 : i32
    %dma_start3A_43 = tpu.memref_slice %arg7[%dma_start3A_34, %dma_start3A_42] : memref<4x80xi32, #tpu.memory_space<vmem>> -> memref<1x80xi32, #tpu.memory_space<vmem>>
    %dma_start3A_44 = tpu.memref_squeeze %dma_start3A_43 : memref<1x80xi32, #tpu.memory_space<vmem>> -> memref<80xi32, #tpu.memory_space<vmem>>
    %dma_start3A_45 = tpu.memref_slice %arg2[%add3A_33] : memref<320000xi32, #tpu.memory_space<hbm>> -> memref<80xi32, #tpu.memory_space<hbm>>
    tpu.enqueue_dma source(%dma_start3A_45 : memref<80xi32, #tpu.memory_space<hbm>>) target(%dma_start3A_44 : memref<80xi32, #tpu.memory_space<vmem>>) target_semaphore(%dma_start3A_41 : memref<!tpu.dma_semaphore, #tpu.memory_space<semaphore_mem>>)
    %add3A_46 = arith.constant 80 : i32
    %add3A_47 = arith.addi %mul3A_2, %add3A_46 : i32
    %dma_start3A_48 = arith.constant 1 : i32
    %dma_start3A_49 = arith.constant 1 : i32
    %dma_start3A_50 = arith.constant 0 : i32
    %dma_start3A_51 = tpu.memref_slice %arg8[%dma_start3A_48, %dma_start3A_50] : memref<4x80xi32, #tpu.memory_space<vmem>> -> memref<1x80xi32, #tpu.memory_space<vmem>>
    %dma_start3A_52 = tpu.memref_squeeze %dma_start3A_51 : memref<1x80xi32, #tpu.memory_space<vmem>> -> memref<80xi32, #tpu.memory_space<vmem>>
    %dma_start3A_53 = tpu.memref_slice %arg3[%add3A_47] : memref<320000xi32, #tpu.memory_space<hbm>> -> memref<80xi32, #tpu.memory_space<hbm>>
    %dma_start3A_54 = tpu.memref_slice %arg12[%dma_start3A_49] : memref<4x!tpu.dma_semaphore, #tpu.memory_space<semaphore_mem>> -> memref<1x!tpu.dma_semaphore, #tpu.memory_space<semaphore_mem>>
    %dma_start3A_55 = tpu.memref_squeeze %dma_start3A_54 : memref<1x!tpu.dma_semaphore, #tpu.memory_space<semaphore_mem>> -> memref<!tpu.dma_semaphore, #tpu.memory_space<semaphore_mem>>
    %dma_start3A_56 = arith.constant 0 : i32
    %dma_start3A_57 = tpu.memref_slice %arg8[%dma_start3A_48, %dma_start3A_56] : memref<4x80xi32, #tpu.memory_space<vmem>> -> memref<1x80xi32, #tpu.memory_space<vmem>>
    %dma_start3A_58 = tpu.memref_squeeze %dma_start3A_57 : memref<1x80xi32, #tpu.memory_space<vmem>> -> memref<80xi32, #tpu.memory_space<vmem>>
    %dma_start3A_59 = tpu.memref_slice %arg3[%add3A_47] : memref<320000xi32, #tpu.memory_space<hbm>> -> memref<80xi32, #tpu.memory_space<hbm>>
    tpu.enqueue_dma source(%dma_start3A_59 : memref<80xi32, #tpu.memory_space<hbm>>) target(%dma_start3A_58 : memref<80xi32, #tpu.memory_space<vmem>>) target_semaphore(%dma_start3A_55 : memref<!tpu.dma_semaphore, #tpu.memory_space<semaphore_mem>>)
    %add3A_60 = arith.constant 160 : i32
    %add3A_61 = arith.addi %mul3A_2, %add3A_60 : i32
    %dma_start3A_62 = arith.constant 2 : i32
    %dma_start3A_63 = arith.constant 2 : i32
    %dma_start3A_64 = arith.constant 0 : i32
    %dma_start3A_65 = tpu.memref_slice %arg7[%dma_start3A_62, %dma_start3A_64] : memref<4x80xi32, #tpu.memory_space<vmem>> -> memref<1x80xi32, #tpu.memory_space<vmem>>
    %dma_start3A_66 = tpu.memref_squeeze %dma_start3A_65 : memref<1x80xi32, #tpu.memory_space<vmem>> -> memref<80xi32, #tpu.memory_space<vmem>>
    %dma_start3A_67 = tpu.memref_slice %arg2[%add3A_61] : memref<320000xi32, #tpu.memory_space<hbm>> -> memref<80xi32, #tpu.memory_space<hbm>>
    %dma_start3A_68 = tpu.memref_slice %arg11[%dma_start3A_63] : memref<4x!tpu.dma_semaphore, #tpu.memory_space<semaphore_mem>> -> memref<1x!tpu.dma_semaphore, #tpu.memory_space<semaphore_mem>>
    %dma_start3A_69 = tpu.memref_squeeze %dma_start3A_68 : memref<1x!tpu.dma_semaphore, #tpu.memory_space<semaphore_mem>> -> memref<!tpu.dma_semaphore, #tpu.memory_space<semaphore_mem>>
    %dma_start3A_70 = arith.constant 0 : i32
    %dma_start3A_71 = tpu.memref_slice %arg7[%dma_start3A_62, %dma_start3A_70] : memref<4x80xi32, #tpu.memory_space<vmem>> -> memref<1x80xi32, #tpu.memory_space<vmem>>
    %dma_start3A_72 = tpu.memref_squeeze %dma_start3A_71 : memref<1x80xi32, #tpu.memory_space<vmem>> -> memref<80xi32, #tpu.memory_space<vmem>>
    %dma_start3A_73 = tpu.memref_slice %arg2[%add3A_61] : memref<320000xi32, #tpu.memory_space<hbm>> -> memref<80xi32, #tpu.memory_space<hbm>>
    tpu.enqueue_dma source(%dma_start3A_73 : memref<80xi32, #tpu.memory_space<hbm>>) target(%dma_start3A_72 : memref<80xi32, #tpu.memory_space<vmem>>) target_semaphore(%dma_start3A_69 : memref<!tpu.dma_semaphore, #tpu.memory_space<semaphore_mem>>)
    %add3A_74 = arith.constant 160 : i32
    %add3A_75 = arith.addi %mul3A_2, %add3A_74 : i32
    %dma_start3A_76 = arith.constant 2 : i32
    %dma_start3A_77 = arith.constant 2 : i32
    %dma_start3A_78 = arith.constant 0 : i32
    %dma_start3A_79 = tpu.memref_slice %arg8[%dma_start3A_76, %dma_start3A_78] : memref<4x80xi32, #tpu.memory_space<vmem>> -> memref<1x80xi32, #tpu.memory_space<vmem>>
    %dma_start3A_80 = tpu.memref_squeeze %dma_start3A_79 : memref<1x80xi32, #tpu.memory_space<vmem>> -> memref<80xi32, #tpu.memory_space<vmem>>
    %dma_start3A_81 = tpu.memref_slice %arg3[%add3A_75] : memref<320000xi32, #tpu.memory_space<hbm>> -> memref<80xi32, #tpu.memory_space<hbm>>
    %dma_start3A_82 = tpu.memref_slice %arg12[%dma_start3A_77] : memref<4x!tpu.dma_semaphore, #tpu.memory_space<semaphore_mem>> -> memref<1x!tpu.dma_semaphore, #tpu.memory_space<semaphore_mem>>
    %dma_start3A_83 = tpu.memref_squeeze %dma_start3A_82 : memref<1x!tpu.dma_semaphore, #tpu.memory_space<semaphore_mem>> -> memref<!tpu.dma_semaphore, #tpu.memory_space<semaphore_mem>>
    %dma_start3A_84 = arith.constant 0 : i32
    %dma_start3A_85 = tpu.memref_slice %arg8[%dma_start3A_76, %dma_start3A_84] : memref<4x80xi32, #tpu.memory_space<vmem>> -> memref<1x80xi32, #tpu.memory_space<vmem>>
    %dma_start3A_86 = tpu.memref_squeeze %dma_start3A_85 : memref<1x80xi32, #tpu.memory_space<vmem>> -> memref<80xi32, #tpu.memory_space<vmem>>
    %dma_start3A_87 = tpu.memref_slice %arg3[%add3A_75] : memref<320000xi32, #tpu.memory_space<hbm>> -> memref<80xi32, #tpu.memory_space<hbm>>
    tpu.enqueue_dma source(%dma_start3A_87 : memref<80xi32, #tpu.memory_space<hbm>>) target(%dma_start3A_86 : memref<80xi32, #tpu.memory_space<vmem>>) target_semaphore(%dma_start3A_83 : memref<!tpu.dma_semaphore, #tpu.memory_space<semaphore_mem>>)
    %add3A_88 = arith.constant 240 : i32
    %add3A_89 = arith.addi %mul3A_2, %add3A_88 : i32
    %dma_start3A_90 = arith.constant 3 : i32
    %dma_start3A_91 = arith.constant 3 : i32
    %dma_start3A_92 = arith.constant 0 : i32
    %dma_start3A_93 = tpu.memref_slice %arg7[%dma_start3A_90, %dma_start3A_92] : memref<4x80xi32, #tpu.memory_space<vmem>> -> memref<1x80xi32, #tpu.memory_space<vmem>>
    %dma_start3A_94 = tpu.memref_squeeze %dma_start3A_93 : memref<1x80xi32, #tpu.memory_space<vmem>> -> memref<80xi32, #tpu.memory_space<vmem>>
    %dma_start3A_95 = tpu.memref_slice %arg2[%add3A_89] : memref<320000xi32, #tpu.memory_space<hbm>> -> memref<80xi32, #tpu.memory_space<hbm>>
    %dma_start3A_96 = tpu.memref_slice %arg11[%dma_start3A_91] : memref<4x!tpu.dma_semaphore, #tpu.memory_space<semaphore_mem>> -> memref<1x!tpu.dma_semaphore, #tpu.memory_space<semaphore_mem>>
    %dma_start3A_97 = tpu.memref_squeeze %dma_start3A_96 : memref<1x!tpu.dma_semaphore, #tpu.memory_space<semaphore_mem>> -> memref<!tpu.dma_semaphore, #tpu.memory_space<semaphore_mem>>
    %dma_start3A_98 = arith.constant 0 : i32
    %dma_start3A_99 = tpu.memref_slice %arg7[%dma_start3A_90, %dma_start3A_98] : memref<4x80xi32, #tpu.memory_space<vmem>> -> memref<1x80xi32, #tpu.memory_space<vmem>>
    %dma_start3A_100 = tpu.memref_squeeze %dma_start3A_99 : memref<1x80xi32, #tpu.memory_space<vmem>> -> memref<80xi32, #tpu.memory_space<vmem>>
    %dma_start3A_101 = tpu.memref_slice %arg2[%add3A_89] : memref<320000xi32, #tpu.memory_space<hbm>> -> memref<80xi32, #tpu.memory_space<hbm>>
    tpu.enqueue_dma source(%dma_start3A_101 : memref<80xi32, #tpu.memory_space<hbm>>) target(%dma_start3A_100 : memref<80xi32, #tpu.memory_space<vmem>>) target_semaphore(%dma_start3A_97 : memref<!tpu.dma_semaphore, #tpu.memory_space<semaphore_mem>>)
    %add3A_102 = arith.constant 240 : i32
    %add3A_103 = arith.addi %mul3A_2, %add3A_102 : i32
    %dma_start3A_104 = arith.constant 3 : i32
    %dma_start3A_105 = arith.constant 3 : i32
    %dma_start3A_106 = arith.constant 0 : i32
    %dma_start3A_107 = tpu.memref_slice %arg8[%dma_start3A_104, %dma_start3A_106] : memref<4x80xi32, #tpu.memory_space<vmem>> -> memref<1x80xi32, #tpu.memory_space<vmem>>
    %dma_start3A_108 = tpu.memref_squeeze %dma_start3A_107 : memref<1x80xi32, #tpu.memory_space<vmem>> -> memref<80xi32, #tpu.memory_space<vmem>>
    %dma_start3A_109 = tpu.memref_slice %arg3[%add3A_103] : memref<320000xi32, #tpu.memory_space<hbm>> -> memref<80xi32, #tpu.memory_space<hbm>>
    %dma_start3A_110 = tpu.memref_slice %arg12[%dma_start3A_105] : memref<4x!tpu.dma_semaphore, #tpu.memory_space<semaphore_mem>> -> memref<1x!tpu.dma_semaphore, #tpu.memory_space<semaphore_mem>>
    %dma_start3A_111 = tpu.memref_squeeze %dma_start3A_110 : memref<1x!tpu.dma_semaphore, #tpu.memory_space<semaphore_mem>> -> memref<!tpu.dma_semaphore, #tpu.memory_space<semaphore_mem>>
    %dma_start3A_112 = arith.constant 0 : i32
    %dma_start3A_113 = tpu.memref_slice %arg8[%dma_start3A_104, %dma_start3A_112] : memref<4x80xi32, #tpu.memory_space<vmem>> -> memref<1x80xi32, #tpu.memory_space<vmem>>
    %dma_start3A_114 = tpu.memref_squeeze %dma_start3A_113 : memref<1x80xi32, #tpu.memory_space<vmem>> -> memref<80xi32, #tpu.memory_space<vmem>>
    %dma_start3A_115 = tpu.memref_slice %arg3[%add3A_103] : memref<320000xi32, #tpu.memory_space<hbm>> -> memref<80xi32, #tpu.memory_space<hbm>>
    tpu.enqueue_dma source(%dma_start3A_115 : memref<80xi32, #tpu.memory_space<hbm>>) target(%dma_start3A_114 : memref<80xi32, #tpu.memory_space<vmem>>) target_semaphore(%dma_start3A_111 : memref<!tpu.dma_semaphore, #tpu.memory_space<semaphore_mem>>)
    %add3A_116 = arith.constant 0 : i32
    %add3A_117 = arith.addi %mul3A_2, %add3A_116 : i32
    %dma_wait3A = arith.constant 0 : i32
    %dma_wait3A_118 = arith.constant 0 : i32
    %dma_wait3A_119 = arith.constant 0 : i32
    %dma_wait3A_120 = tpu.memref_slice %arg7[%dma_wait3A, %dma_wait3A_119] : memref<4x80xi32, #tpu.memory_space<vmem>> -> memref<1x80xi32, #tpu.memory_space<vmem>>
    %dma_wait3A_121 = tpu.memref_squeeze %dma_wait3A_120 : memref<1x80xi32, #tpu.memory_space<vmem>> -> memref<80xi32, #tpu.memory_space<vmem>>
    %dma_wait3A_122 = tpu.memref_slice %arg2[%add3A_117] : memref<320000xi32, #tpu.memory_space<hbm>> -> memref<80xi32, #tpu.memory_space<hbm>>
    %dma_wait3A_123 = tpu.memref_slice %arg11[%dma_wait3A_118] : memref<4x!tpu.dma_semaphore, #tpu.memory_space<semaphore_mem>> -> memref<1x!tpu.dma_semaphore, #tpu.memory_space<semaphore_mem>>
    %dma_wait3A_124 = tpu.memref_squeeze %dma_wait3A_123 : memref<1x!tpu.dma_semaphore, #tpu.memory_space<semaphore_mem>> -> memref<!tpu.dma_semaphore, #tpu.memory_space<semaphore_mem>>
    %dma_wait3A_125 = arith.constant 0 : i32
    %dma_wait3A_126 = tpu.memref_slice %arg7[%dma_wait3A, %dma_wait3A_125] : memref<4x80xi32, #tpu.memory_space<vmem>> -> memref<1x80xi32, #tpu.memory_space<vmem>>
    %dma_wait3A_127 = tpu.memref_squeeze %dma_wait3A_126 : memref<1x80xi32, #tpu.memory_space<vmem>> -> memref<80xi32, #tpu.memory_space<vmem>>
    %dma_wait3A_128 = tpu.memref_slice %arg2[%add3A_117] : memref<320000xi32, #tpu.memory_space<hbm>> -> memref<80xi32, #tpu.memory_space<hbm>>
    tpu.wait_dma2 semaphore(%dma_wait3A_124 : memref<!tpu.dma_semaphore, #tpu.memory_space<semaphore_mem>>) src(%dma_wait3A_128 : memref<80xi32, #tpu.memory_space<hbm>>) dst(%dma_wait3A_127 : memref<80xi32, #tpu.memory_space<vmem>>)
    %dma_start3A_129 = arith.constant 0 : i32
    %dma_start3A_130 = arith.constant 0 : i32
    %dma_start3A_131 = arith.constant 0 : i32
    %dma_start3A_132 = arith.constant 0 : i32
    %dma_start3A_133 = arith.constant 0 : i32
    %dma_start3A_134 = tpu.memref_slice %arg9[%dma_start3A_130, %dma_start3A_132, %dma_start3A_133] : memref<4x80x128xf32, #tpu.memory_space<vmem>> -> memref<1x80x128xf32, #tpu.memory_space<vmem>>
    %dma_start3A_135 = tpu.memref_squeeze %dma_start3A_134 : memref<1x80x128xf32, #tpu.memory_space<vmem>> -> memref<80x128xf32, #tpu.memory_space<vmem>>
    %dma_start3A_136 = arith.constant 0 : i32
    %dma_start3A_137 = tpu.memref_slice %arg7[%dma_start3A_129, %dma_start3A_136] : memref<4x80xi32, #tpu.memory_space<vmem>> -> memref<1x80xi32, #tpu.memory_space<vmem>>
    %dma_start3A_138 = tpu.memref_squeeze %dma_start3A_137 : memref<1x80xi32, #tpu.memory_space<vmem>> -> memref<80xi32, #tpu.memory_space<vmem>>
    %dma_start3A_139 = arith.constant 0 : i32
    %dma_start3A_140 = arith.constant 0 : i32
    %dma_start3A_141 = tpu.memref_slice %arg4[%dma_start3A_139, %dma_start3A_140] : memref<10000x128xf32, #tpu.memory_space<hbm>> -> memref<10000x128xf32, #tpu.memory_space<hbm>>
    %dma_start3A_142 = tpu.memref_slice %arg13[%dma_start3A_131] : memref<4x!tpu.dma_semaphore, #tpu.memory_space<semaphore_mem>> -> memref<1x!tpu.dma_semaphore, #tpu.memory_space<semaphore_mem>>
    %dma_start3A_143 = tpu.memref_squeeze %dma_start3A_142 : memref<1x!tpu.dma_semaphore, #tpu.memory_space<semaphore_mem>> -> memref<!tpu.dma_semaphore, #tpu.memory_space<semaphore_mem>>
    tpu.enqueue_indirect_dma source(%dma_start3A_141 : memref<10000x128xf32, #tpu.memory_space<hbm>>) target(%dma_start3A_135 : memref<80x128xf32, #tpu.memory_space<vmem>>) offsets(%dma_start3A_138 : memref<80xi32, #tpu.memory_space<vmem>>) semaphore(%dma_start3A_143 : memref<!tpu.dma_semaphore, #tpu.memory_space<semaphore_mem>>)
    %add3A_144 = arith.constant 80 : i32
    %add3A_145 = arith.addi %mul3A_2, %add3A_144 : i32
    %dma_wait3A_146 = arith.constant 1 : i32
    %dma_wait3A_147 = arith.constant 1 : i32
    %dma_wait3A_148 = arith.constant 0 : i32
    %dma_wait3A_149 = tpu.memref_slice %arg7[%dma_wait3A_146, %dma_wait3A_148] : memref<4x80xi32, #tpu.memory_space<vmem>> -> memref<1x80xi32, #tpu.memory_space<vmem>>
    %dma_wait3A_150 = tpu.memref_squeeze %dma_wait3A_149 : memref<1x80xi32, #tpu.memory_space<vmem>> -> memref<80xi32, #tpu.memory_space<vmem>>
    %dma_wait3A_151 = tpu.memref_slice %arg2[%add3A_145] : memref<320000xi32, #tpu.memory_space<hbm>> -> memref<80xi32, #tpu.memory_space<hbm>>
    %dma_wait3A_152 = tpu.memref_slice %arg11[%dma_wait3A_147] : memref<4x!tpu.dma_semaphore, #tpu.memory_space<semaphore_mem>> -> memref<1x!tpu.dma_semaphore, #tpu.memory_space<semaphore_mem>>
    %dma_wait3A_153 = tpu.memref_squeeze %dma_wait3A_152 : memref<1x!tpu.dma_semaphore, #tpu.memory_space<semaphore_mem>> -> memref<!tpu.dma_semaphore, #tpu.memory_space<semaphore_mem>>
    %dma_wait3A_154 = arith.constant 0 : i32
    %dma_wait3A_155 = tpu.memref_slice %arg7[%dma_wait3A_146, %dma_wait3A_154] : memref<4x80xi32, #tpu.memory_space<vmem>> -> memref<1x80xi32, #tpu.memory_space<vmem>>
    %dma_wait3A_156 = tpu.memref_squeeze %dma_wait3A_155 : memref<1x80xi32, #tpu.memory_space<vmem>> -> memref<80xi32, #tpu.memory_space<vmem>>
    %dma_wait3A_157 = tpu.memref_slice %arg2[%add3A_145] : memref<320000xi32, #tpu.memory_space<hbm>> -> memref<80xi32, #tpu.memory_space<hbm>>
    tpu.wait_dma2 semaphore(%dma_wait3A_153 : memref<!tpu.dma_semaphore, #tpu.memory_space<semaphore_mem>>) src(%dma_wait3A_157 : memref<80xi32, #tpu.memory_space<hbm>>) dst(%dma_wait3A_156 : memref<80xi32, #tpu.memory_space<vmem>>)
    %dma_start3A_158 = arith.constant 1 : i32
    %dma_start3A_159 = arith.constant 1 : i32
    %dma_start3A_160 = arith.constant 1 : i32
    %dma_start3A_161 = arith.constant 0 : i32
    %dma_start3A_162 = arith.constant 0 : i32
    %dma_start3A_163 = tpu.memref_slice %arg9[%dma_start3A_159, %dma_start3A_161, %dma_start3A_162] : memref<4x80x128xf32, #tpu.memory_space<vmem>> -> memref<1x80x128xf32, #tpu.memory_space<vmem>>
    %dma_start3A_164 = tpu.memref_squeeze %dma_start3A_163 : memref<1x80x128xf32, #tpu.memory_space<vmem>> -> memref<80x128xf32, #tpu.memory_space<vmem>>
    %dma_start3A_165 = arith.constant 0 : i32
    %dma_start3A_166 = tpu.memref_slice %arg7[%dma_start3A_158, %dma_start3A_165] : memref<4x80xi32, #tpu.memory_space<vmem>> -> memref<1x80xi32, #tpu.memory_space<vmem>>
    %dma_start3A_167 = tpu.memref_squeeze %dma_start3A_166 : memref<1x80xi32, #tpu.memory_space<vmem>> -> memref<80xi32, #tpu.memory_space<vmem>>
    %dma_start3A_168 = arith.constant 0 : i32
    %dma_start3A_169 = arith.constant 0 : i32
    %dma_start3A_170 = tpu.memref_slice %arg4[%dma_start3A_168, %dma_start3A_169] : memref<10000x128xf32, #tpu.memory_space<hbm>> -> memref<10000x128xf32, #tpu.memory_space<hbm>>
    %dma_start3A_171 = tpu.memref_slice %arg13[%dma_start3A_160] : memref<4x!tpu.dma_semaphore, #tpu.memory_space<semaphore_mem>> -> memref<1x!tpu.dma_semaphore, #tpu.memory_space<semaphore_mem>>
    %dma_start3A_172 = tpu.memref_squeeze %dma_start3A_171 : memref<1x!tpu.dma_semaphore, #tpu.memory_space<semaphore_mem>> -> memref<!tpu.dma_semaphore, #tpu.memory_space<semaphore_mem>>
    tpu.enqueue_indirect_dma source(%dma_start3A_170 : memref<10000x128xf32, #tpu.memory_space<hbm>>) target(%dma_start3A_164 : memref<80x128xf32, #tpu.memory_space<vmem>>) offsets(%dma_start3A_167 : memref<80xi32, #tpu.memory_space<vmem>>) semaphore(%dma_start3A_172 : memref<!tpu.dma_semaphore, #tpu.memory_space<semaphore_mem>>)
    %add3A_173 = arith.constant 160 : i32
    %add3A_174 = arith.addi %mul3A_2, %add3A_173 : i32
    %dma_wait3A_175 = arith.constant 2 : i32
    %dma_wait3A_176 = arith.constant 2 : i32
    %dma_wait3A_177 = arith.constant 0 : i32
    %dma_wait3A_178 = tpu.memref_slice %arg7[%dma_wait3A_175, %dma_wait3A_177] : memref<4x80xi32, #tpu.memory_space<vmem>> -> memref<1x80xi32, #tpu.memory_space<vmem>>
    %dma_wait3A_179 = tpu.memref_squeeze %dma_wait3A_178 : memref<1x80xi32, #tpu.memory_space<vmem>> -> memref<80xi32, #tpu.memory_space<vmem>>
    %dma_wait3A_180 = tpu.memref_slice %arg2[%add3A_174] : memref<320000xi32, #tpu.memory_space<hbm>> -> memref<80xi32, #tpu.memory_space<hbm>>
    %dma_wait3A_181 = tpu.memref_slice %arg11[%dma_wait3A_176] : memref<4x!tpu.dma_semaphore, #tpu.memory_space<semaphore_mem>> -> memref<1x!tpu.dma_semaphore, #tpu.memory_space<semaphore_mem>>
    %dma_wait3A_182 = tpu.memref_squeeze %dma_wait3A_181 : memref<1x!tpu.dma_semaphore, #tpu.memory_space<semaphore_mem>> -> memref<!tpu.dma_semaphore, #tpu.memory_space<semaphore_mem>>
    %dma_wait3A_183 = arith.constant 0 : i32
    %dma_wait3A_184 = tpu.memref_slice %arg7[%dma_wait3A_175, %dma_wait3A_183] : memref<4x80xi32, #tpu.memory_space<vmem>> -> memref<1x80xi32, #tpu.memory_space<vmem>>
    %dma_wait3A_185 = tpu.memref_squeeze %dma_wait3A_184 : memref<1x80xi32, #tpu.memory_space<vmem>> -> memref<80xi32, #tpu.memory_space<vmem>>
    %dma_wait3A_186 = tpu.memref_slice %arg2[%add3A_174] : memref<320000xi32, #tpu.memory_space<hbm>> -> memref<80xi32, #tpu.memory_space<hbm>>
    tpu.wait_dma2 semaphore(%dma_wait3A_182 : memref<!tpu.dma_semaphore, #tpu.memory_space<semaphore_mem>>) src(%dma_wait3A_186 : memref<80xi32, #tpu.memory_space<hbm>>) dst(%dma_wait3A_185 : memref<80xi32, #tpu.memory_space<vmem>>)
    %dma_start3A_187 = arith.constant 2 : i32
    %dma_start3A_188 = arith.constant 2 : i32
    %dma_start3A_189 = arith.constant 2 : i32
    %dma_start3A_190 = arith.constant 0 : i32
    %dma_start3A_191 = arith.constant 0 : i32
    %dma_start3A_192 = tpu.memref_slice %arg9[%dma_start3A_188, %dma_start3A_190, %dma_start3A_191] : memref<4x80x128xf32, #tpu.memory_space<vmem>> -> memref<1x80x128xf32, #tpu.memory_space<vmem>>
    %dma_start3A_193 = tpu.memref_squeeze %dma_start3A_192 : memref<1x80x128xf32, #tpu.memory_space<vmem>> -> memref<80x128xf32, #tpu.memory_space<vmem>>
    %dma_start3A_194 = arith.constant 0 : i32
    %dma_start3A_195 = tpu.memref_slice %arg7[%dma_start3A_187, %dma_start3A_194] : memref<4x80xi32, #tpu.memory_space<vmem>> -> memref<1x80xi32, #tpu.memory_space<vmem>>
    %dma_start3A_196 = tpu.memref_squeeze %dma_start3A_195 : memref<1x80xi32, #tpu.memory_space<vmem>> -> memref<80xi32, #tpu.memory_space<vmem>>
    %dma_start3A_197 = arith.constant 0 : i32
    %dma_start3A_198 = arith.constant 0 : i32
    %dma_start3A_199 = tpu.memref_slice %arg4[%dma_start3A_197, %dma_start3A_198] : memref<10000x128xf32, #tpu.memory_space<hbm>> -> memref<10000x128xf32, #tpu.memory_space<hbm>>
    %dma_start3A_200 = tpu.memref_slice %arg13[%dma_start3A_189] : memref<4x!tpu.dma_semaphore, #tpu.memory_space<semaphore_mem>> -> memref<1x!tpu.dma_semaphore, #tpu.memory_space<semaphore_mem>>
    %dma_start3A_201 = tpu.memref_squeeze %dma_start3A_200 : memref<1x!tpu.dma_semaphore, #tpu.memory_space<semaphore_mem>> -> memref<!tpu.dma_semaphore, #tpu.memory_space<semaphore_mem>>
    tpu.enqueue_indirect_dma source(%dma_start3A_199 : memref<10000x128xf32, #tpu.memory_space<hbm>>) target(%dma_start3A_193 : memref<80x128xf32, #tpu.memory_space<vmem>>) offsets(%dma_start3A_196 : memref<80xi32, #tpu.memory_space<vmem>>) semaphore(%dma_start3A_201 : memref<!tpu.dma_semaphore, #tpu.memory_space<semaphore_mem>>)
    %add3A_202 = arith.constant 240 : i32
    %add3A_203 = arith.addi %mul3A_2, %add3A_202 : i32
    %dma_wait3A_204 = arith.constant 3 : i32
    %dma_wait3A_205 = arith.constant 3 : i32
    %dma_wait3A_206 = arith.constant 0 : i32
    %dma_wait3A_207 = tpu.memref_slice %arg7[%dma_wait3A_204, %dma_wait3A_206] : memref<4x80xi32, #tpu.memory_space<vmem>> -> memref<1x80xi32, #tpu.memory_space<vmem>>
    %dma_wait3A_208 = tpu.memref_squeeze %dma_wait3A_207 : memref<1x80xi32, #tpu.memory_space<vmem>> -> memref<80xi32, #tpu.memory_space<vmem>>
    %dma_wait3A_209 = tpu.memref_slice %arg2[%add3A_203] : memref<320000xi32, #tpu.memory_space<hbm>> -> memref<80xi32, #tpu.memory_space<hbm>>
    %dma_wait3A_210 = tpu.memref_slice %arg11[%dma_wait3A_205] : memref<4x!tpu.dma_semaphore, #tpu.memory_space<semaphore_mem>> -> memref<1x!tpu.dma_semaphore, #tpu.memory_space<semaphore_mem>>
    %dma_wait3A_211 = tpu.memref_squeeze %dma_wait3A_210 : memref<1x!tpu.dma_semaphore, #tpu.memory_space<semaphore_mem>> -> memref<!tpu.dma_semaphore, #tpu.memory_space<semaphore_mem>>
    %dma_wait3A_212 = arith.constant 0 : i32
    %dma_wait3A_213 = tpu.memref_slice %arg7[%dma_wait3A_204, %dma_wait3A_212] : memref<4x80xi32, #tpu.memory_space<vmem>> -> memref<1x80xi32, #tpu.memory_space<vmem>>
    %dma_wait3A_214 = tpu.memref_squeeze %dma_wait3A_213 : memref<1x80xi32, #tpu.memory_space<vmem>> -> memref<80xi32, #tpu.memory_space<vmem>>
    %dma_wait3A_215 = tpu.memref_slice %arg2[%add3A_203] : memref<320000xi32, #tpu.memory_space<hbm>> -> memref<80xi32, #tpu.memory_space<hbm>>
    tpu.wait_dma2 semaphore(%dma_wait3A_211 : memref<!tpu.dma_semaphore, #tpu.memory_space<semaphore_mem>>) src(%dma_wait3A_215 : memref<80xi32, #tpu.memory_space<hbm>>) dst(%dma_wait3A_214 : memref<80xi32, #tpu.memory_space<vmem>>)
    %dma_start3A_216 = arith.constant 3 : i32
    %dma_start3A_217 = arith.constant 3 : i32
    %dma_start3A_218 = arith.constant 3 : i32
    %dma_start3A_219 = arith.constant 0 : i32
    %dma_start3A_220 = arith.constant 0 : i32
    %dma_start3A_221 = tpu.memref_slice %arg9[%dma_start3A_217, %dma_start3A_219, %dma_start3A_220] : memref<4x80x128xf32, #tpu.memory_space<vmem>> -> memref<1x80x128xf32, #tpu.memory_space<vmem>>
    %dma_start3A_222 = tpu.memref_squeeze %dma_start3A_221 : memref<1x80x128xf32, #tpu.memory_space<vmem>> -> memref<80x128xf32, #tpu.memory_space<vmem>>
    %dma_start3A_223 = arith.constant 0 : i32
    %dma_start3A_224 = tpu.memref_slice %arg7[%dma_start3A_216, %dma_start3A_223] : memref<4x80xi32, #tpu.memory_space<vmem>> -> memref<1x80xi32, #tpu.memory_space<vmem>>
    %dma_start3A_225 = tpu.memref_squeeze %dma_start3A_224 : memref<1x80xi32, #tpu.memory_space<vmem>> -> memref<80xi32, #tpu.memory_space<vmem>>
    %dma_start3A_226 = arith.constant 0 : i32
    %dma_start3A_227 = arith.constant 0 : i32
    %dma_start3A_228 = tpu.memref_slice %arg4[%dma_start3A_226, %dma_start3A_227] : memref<10000x128xf32, #tpu.memory_space<hbm>> -> memref<10000x128xf32, #tpu.memory_space<hbm>>
    %dma_start3A_229 = tpu.memref_slice %arg13[%dma_start3A_218] : memref<4x!tpu.dma_semaphore, #tpu.memory_space<semaphore_mem>> -> memref<1x!tpu.dma_semaphore, #tpu.memory_space<semaphore_mem>>
    %dma_start3A_230 = tpu.memref_squeeze %dma_start3A_229 : memref<1x!tpu.dma_semaphore, #tpu.memory_space<semaphore_mem>> -> memref<!tpu.dma_semaphore, #tpu.memory_space<semaphore_mem>>
    tpu.enqueue_indirect_dma source(%dma_start3A_228 : memref<10000x128xf32, #tpu.memory_space<hbm>>) target(%dma_start3A_222 : memref<80x128xf32, #tpu.memory_space<vmem>>) offsets(%dma_start3A_225 : memref<80xi32, #tpu.memory_space<vmem>>) semaphore(%dma_start3A_230 : memref<!tpu.dma_semaphore, #tpu.memory_space<semaphore_mem>>)
    %scan3A = arith.constant 0 : i32
    %scan3A_231 = arith.constant 0 : i32
    %scan3A_232 = arith.constant 32 : i32
    %scan3A_233 = arith.addi %scan3A_231, %scan3A_232 : i32
    %scan3A_234 = arith.constant 1 : i32
    scf.for %scan3A_301 = %scan3A_231 to %scan3A_233 step %scan3A_234  : i32 {
      %mul3A_302 = arith.constant 4 : i32
      %mul3A_303 = arith.muli %scan3A_301, %mul3A_302 : i32
      %add3A_304 = arith.constant 0 : i32
      %add3A_305 = arith.addi %mul3A_303, %add3A_304 : i32
      %lt3A = arith.constant 125 : i32
      %lt3A_306 = arith.cmpi slt, %add3A_305, %lt3A : i32
      %convert_element_type3A = arith.extui %lt3A_306 : i1 to i32
      %cond3A = arith.constant 0 : i32
      %cond3A_307 = arith.cmpi ne, %convert_element_type3A, %cond3A : i32
      scf.if %cond3A_307 {
        %dma_wait3A_335 = arith.constant 0 : i32
        %dma_wait3A_336 = arith.constant 0 : i32
        %dma_wait3A_337 = arith.constant 0 : i32
        %dma_wait3A_338 = arith.constant 0 : i32
        %dma_wait3A_339 = arith.constant 0 : i32
        %dma_wait3A_340 = tpu.memref_slice %arg9[%dma_wait3A_336, %dma_wait3A_338, %dma_wait3A_339] : memref<4x80x128xf32, #tpu.memory_space<vmem>> -> memref<1x80x128xf32, #tpu.memory_space<vmem>>
        %dma_wait3A_341 = tpu.memref_squeeze %dma_wait3A_340 : memref<1x80x128xf32, #tpu.memory_space<vmem>> -> memref<80x128xf32, #tpu.memory_space<vmem>>
        %dma_wait3A_342 = arith.constant 0 : i32
        %dma_wait3A_343 = tpu.memref_slice %arg7[%dma_wait3A_335, %dma_wait3A_342] : memref<4x80xi32, #tpu.memory_space<vmem>> -> memref<1x80xi32, #tpu.memory_space<vmem>>
        %dma_wait3A_344 = tpu.memref_squeeze %dma_wait3A_343 : memref<1x80xi32, #tpu.memory_space<vmem>> -> memref<80xi32, #tpu.memory_space<vmem>>
        %dma_wait3A_345 = arith.constant 0 : i32
        %dma_wait3A_346 = arith.constant 0 : i32
        %dma_wait3A_347 = tpu.memref_slice %arg4[%dma_wait3A_345, %dma_wait3A_346] : memref<10000x128xf32, #tpu.memory_space<hbm>> -> memref<10000x128xf32, #tpu.memory_space<hbm>>
        %dma_wait3A_348 = tpu.memref_slice %arg13[%dma_wait3A_337] : memref<4x!tpu.dma_semaphore, #tpu.memory_space<semaphore_mem>> -> memref<1x!tpu.dma_semaphore, #tpu.memory_space<semaphore_mem>>
        %dma_wait3A_349 = tpu.memref_squeeze %dma_wait3A_348 : memref<1x!tpu.dma_semaphore, #tpu.memory_space<semaphore_mem>> -> memref<!tpu.dma_semaphore, #tpu.memory_space<semaphore_mem>>
        tpu.wait_indirect_dma semaphore(%dma_wait3A_349 : memref<!tpu.dma_semaphore, #tpu.memory_space<semaphore_mem>>) src(%dma_wait3A_347 : memref<10000x128xf32, #tpu.memory_space<hbm>>) dst(%dma_wait3A_341 : memref<80x128xf32, #tpu.memory_space<vmem>>)
        %mul3A_350 = arith.constant 80 : i32
        %mul3A_351 = arith.muli %add3A_305, %mul3A_350 : i32
        %add3A_352 = arith.addi %mul3A_2, %mul3A_351 : i32
        %dma_wait3A_353 = arith.constant 0 : i32
        %dma_wait3A_354 = arith.constant 0 : i32
        %dma_wait3A_355 = arith.constant 0 : i32
        %dma_wait3A_356 = tpu.memref_slice %arg8[%dma_wait3A_353, %dma_wait3A_355] : memref<4x80xi32, #tpu.memory_space<vmem>> -> memref<1x80xi32, #tpu.memory_space<vmem>>
        %dma_wait3A_357 = tpu.memref_squeeze %dma_wait3A_356 : memref<1x80xi32, #tpu.memory_space<vmem>> -> memref<80xi32, #tpu.memory_space<vmem>>
        %dma_wait3A_358 = tpu.memref_slice %arg3[%add3A_352] : memref<320000xi32, #tpu.memory_space<hbm>> -> memref<80xi32, #tpu.memory_space<hbm>>
        %dma_wait3A_359 = tpu.memref_slice %arg12[%dma_wait3A_354] : memref<4x!tpu.dma_semaphore, #tpu.memory_space<semaphore_mem>> -> memref<1x!tpu.dma_semaphore, #tpu.memory_space<semaphore_mem>>
        %dma_wait3A_360 = tpu.memref_squeeze %dma_wait3A_359 : memref<1x!tpu.dma_semaphore, #tpu.memory_space<semaphore_mem>> -> memref<!tpu.dma_semaphore, #tpu.memory_space<semaphore_mem>>
        %dma_wait3A_361 = arith.constant 0 : i32
        %dma_wait3A_362 = tpu.memref_slice %arg8[%dma_wait3A_353, %dma_wait3A_361] : memref<4x80xi32, #tpu.memory_space<vmem>> -> memref<1x80xi32, #tpu.memory_space<vmem>>
        %dma_wait3A_363 = tpu.memref_squeeze %dma_wait3A_362 : memref<1x80xi32, #tpu.memory_space<vmem>> -> memref<80xi32, #tpu.memory_space<vmem>>
        %dma_wait3A_364 = tpu.memref_slice %arg3[%add3A_352] : memref<320000xi32, #tpu.memory_space<hbm>> -> memref<80xi32, #tpu.memory_space<hbm>>
        tpu.wait_dma2 semaphore(%dma_wait3A_360 : memref<!tpu.dma_semaphore, #tpu.memory_space<semaphore_mem>>) src(%dma_wait3A_364 : memref<80xi32, #tpu.memory_space<hbm>>) dst(%dma_wait3A_363 : memref<80xi32, #tpu.memory_space<vmem>>)
        %dma_start3A_365 = arith.constant 0 : i32
        %dma_start3A_366 = arith.constant 0 : i32
        %dma_start3A_367 = arith.constant 0 : i32
        %dma_start3A_368 = arith.constant 0 : i32
        %dma_start3A_369 = arith.constant 0 : i32
        %dma_start3A_370 = tpu.memref_slice %arg9[%dma_start3A_365, %dma_start3A_368, %dma_start3A_369] : memref<4x80x128xf32, #tpu.memory_space<vmem>> -> memref<1x80x128xf32, #tpu.memory_space<vmem>>
        %dma_start3A_371 = tpu.memref_squeeze %dma_start3A_370 : memref<1x80x128xf32, #tpu.memory_space<vmem>> -> memref<80x128xf32, #tpu.memory_space<vmem>>
        %dma_start3A_372 = arith.constant 0 : i32
        %dma_start3A_373 = tpu.memref_slice %arg8[%dma_start3A_366, %dma_start3A_372] : memref<4x80xi32, #tpu.memory_space<vmem>> -> memref<1x80xi32, #tpu.memory_space<vmem>>
        %dma_start3A_374 = tpu.memref_squeeze %dma_start3A_373 : memref<1x80xi32, #tpu.memory_space<vmem>> -> memref<80xi32, #tpu.memory_space<vmem>>
        %dma_start3A_375 = arith.constant 0 : i32
        %dma_start3A_376 = arith.constant 0 : i32
        %dma_start3A_377 = tpu.memref_slice %arg10[%dma_start3A_375, %dma_start3A_376] : memref<10112x128xf32, #tpu.memory_space<vmem_shared>> -> memref<10112x128xf32, #tpu.memory_space<vmem_shared>>
        %dma_start3A_378 = tpu.memref_slice %arg14[%dma_start3A_367] : memref<4x!tpu.dma_semaphore, #tpu.memory_space<semaphore_mem>> -> memref<1x!tpu.dma_semaphore, #tpu.memory_space<semaphore_mem>>
        %dma_start3A_379 = tpu.memref_squeeze %dma_start3A_378 : memref<1x!tpu.dma_semaphore, #tpu.memory_space<semaphore_mem>> -> memref<!tpu.dma_semaphore, #tpu.memory_space<semaphore_mem>>
        tpu.enqueue_indirect_dma source(%dma_start3A_371 : memref<80x128xf32, #tpu.memory_space<vmem>>) target(%dma_start3A_377 : memref<10112x128xf32, #tpu.memory_space<vmem_shared>>) offsets(%dma_start3A_374 : memref<80xi32, #tpu.memory_space<vmem>>) semaphore(%dma_start3A_379 : memref<!tpu.dma_semaphore, #tpu.memory_space<semaphore_mem>>) {add = true}
        %add3A_380 = arith.constant 4 : i32
        %add3A_381 = arith.addi %add3A_305, %add3A_380 : i32
        %lt3A_382 = arith.constant 125 : i32
        %lt3A_383 = arith.cmpi slt, %add3A_381, %lt3A_382 : i32
        %convert_element_type3A_384 = arith.extui %lt3A_383 : i1 to i32
        %cond3A_385 = arith.constant 0 : i32
        %cond3A_386 = arith.cmpi ne, %convert_element_type3A_384, %cond3A_385 : i32
        scf.if %cond3A_386 {
          %mul3A_387 = arith.constant 80 : i32
          %mul3A_388 = arith.muli %add3A_381, %mul3A_387 : i32
          %add3A_389 = arith.addi %mul3A_2, %mul3A_388 : i32
          %dma_start3A_390 = arith.constant 0 : i32
          %dma_start3A_391 = arith.constant 0 : i32
          %dma_start3A_392 = arith.constant 0 : i32
          %dma_start3A_393 = tpu.memref_slice %arg7[%dma_start3A_390, %dma_start3A_392] : memref<4x80xi32, #tpu.memory_space<vmem>> -> memref<1x80xi32, #tpu.memory_space<vmem>>
          %dma_start3A_394 = tpu.memref_squeeze %dma_start3A_393 : memref<1x80xi32, #tpu.memory_space<vmem>> -> memref<80xi32, #tpu.memory_space<vmem>>
          %dma_start3A_395 = tpu.memref_slice %arg2[%add3A_389] : memref<320000xi32, #tpu.memory_space<hbm>> -> memref<80xi32, #tpu.memory_space<hbm>>
          %dma_start3A_396 = tpu.memref_slice %arg11[%dma_start3A_391] : memref<4x!tpu.dma_semaphore, #tpu.memory_space<semaphore_mem>> -> memref<1x!tpu.dma_semaphore, #tpu.memory_space<semaphore_mem>>
          %dma_start3A_397 = tpu.memref_squeeze %dma_start3A_396 : memref<1x!tpu.dma_semaphore, #tpu.memory_space<semaphore_mem>> -> memref<!tpu.dma_semaphore, #tpu.memory_space<semaphore_mem>>
          %dma_start3A_398 = arith.constant 0 : i32
          %dma_start3A_399 = tpu.memref_slice %arg7[%dma_start3A_390, %dma_start3A_398] : memref<4x80xi32, #tpu.memory_space<vmem>> -> memref<1x80xi32, #tpu.memory_space<vmem>>
          %dma_start3A_400 = tpu.memref_squeeze %dma_start3A_399 : memref<1x80xi32, #tpu.memory_space<vmem>> -> memref<80xi32, #tpu.memory_space<vmem>>
          %dma_start3A_401 = tpu.memref_slice %arg2[%add3A_389] : memref<320000xi32, #tpu.memory_space<hbm>> -> memref<80xi32, #tpu.memory_space<hbm>>
          tpu.enqueue_dma source(%dma_start3A_401 : memref<80xi32, #tpu.memory_space<hbm>>) target(%dma_start3A_400 : memref<80xi32, #tpu.memory_space<vmem>>) target_semaphore(%dma_start3A_397 : memref<!tpu.dma_semaphore, #tpu.memory_space<semaphore_mem>>)
          %dma_wait3A_402 = arith.constant 0 : i32
          %dma_wait3A_403 = arith.constant 0 : i32
          %dma_wait3A_404 = arith.constant 0 : i32
          %dma_wait3A_405 = arith.constant 0 : i32
          %dma_wait3A_406 = arith.constant 0 : i32
          %dma_wait3A_407 = tpu.memref_slice %arg9[%dma_wait3A_402, %dma_wait3A_405, %dma_wait3A_406] : memref<4x80x128xf32, #tpu.memory_space<vmem>> -> memref<1x80x128xf32, #tpu.memory_space<vmem>>
          %dma_wait3A_408 = tpu.memref_squeeze %dma_wait3A_407 : memref<1x80x128xf32, #tpu.memory_space<vmem>> -> memref<80x128xf32, #tpu.memory_space<vmem>>
          %dma_wait3A_409 = arith.constant 0 : i32
          %dma_wait3A_410 = tpu.memref_slice %arg8[%dma_wait3A_403, %dma_wait3A_409] : memref<4x80xi32, #tpu.memory_space<vmem>> -> memref<1x80xi32, #tpu.memory_space<vmem>>
          %dma_wait3A_411 = tpu.memref_squeeze %dma_wait3A_410 : memref<1x80xi32, #tpu.memory_space<vmem>> -> memref<80xi32, #tpu.memory_space<vmem>>
          %dma_wait3A_412 = arith.constant 0 : i32
          %dma_wait3A_413 = arith.constant 0 : i32
          %dma_wait3A_414 = tpu.memref_slice %arg10[%dma_wait3A_412, %dma_wait3A_413] : memref<10112x128xf32, #tpu.memory_space<vmem_shared>> -> memref<10112x128xf32, #tpu.memory_space<vmem_shared>>
          %dma_wait3A_415 = tpu.memref_slice %arg14[%dma_wait3A_404] : memref<4x!tpu.dma_semaphore, #tpu.memory_space<semaphore_mem>> -> memref<1x!tpu.dma_semaphore, #tpu.memory_space<semaphore_mem>>
          %dma_wait3A_416 = tpu.memref_squeeze %dma_wait3A_415 : memref<1x!tpu.dma_semaphore, #tpu.memory_space<semaphore_mem>> -> memref<!tpu.dma_semaphore, #tpu.memory_space<semaphore_mem>>
          tpu.wait_indirect_dma semaphore(%dma_wait3A_416 : memref<!tpu.dma_semaphore, #tpu.memory_space<semaphore_mem>>) src(%dma_wait3A_408 : memref<80x128xf32, #tpu.memory_space<vmem>>) dst(%dma_wait3A_414 : memref<10112x128xf32, #tpu.memory_space<vmem_shared>>)
          %mul3A_417 = arith.constant 80 : i32
          %mul3A_418 = arith.muli %add3A_381, %mul3A_417 : i32
          %add3A_419 = arith.addi %mul3A_2, %mul3A_418 : i32
          %dma_start3A_420 = arith.constant 0 : i32
          %dma_start3A_421 = arith.constant 0 : i32
          %dma_start3A_422 = arith.constant 0 : i32
          %dma_start3A_423 = tpu.memref_slice %arg8[%dma_start3A_420, %dma_start3A_422] : memref<4x80xi32, #tpu.memory_space<vmem>> -> memref<1x80xi32, #tpu.memory_space<vmem>>
          %dma_start3A_424 = tpu.memref_squeeze %dma_start3A_423 : memref<1x80xi32, #tpu.memory_space<vmem>> -> memref<80xi32, #tpu.memory_space<vmem>>
          %dma_start3A_425 = tpu.memref_slice %arg3[%add3A_419] : memref<320000xi32, #tpu.memory_space<hbm>> -> memref<80xi32, #tpu.memory_space<hbm>>
          %dma_start3A_426 = tpu.memref_slice %arg12[%dma_start3A_421] : memref<4x!tpu.dma_semaphore, #tpu.memory_space<semaphore_mem>> -> memref<1x!tpu.dma_semaphore, #tpu.memory_space<semaphore_mem>>
          %dma_start3A_427 = tpu.memref_squeeze %dma_start3A_426 : memref<1x!tpu.dma_semaphore, #tpu.memory_space<semaphore_mem>> -> memref<!tpu.dma_semaphore, #tpu.memory_space<semaphore_mem>>
          %dma_start3A_428 = arith.constant 0 : i32
          %dma_start3A_429 = tpu.memref_slice %arg8[%dma_start3A_420, %dma_start3A_428] : memref<4x80xi32, #tpu.memory_space<vmem>> -> memref<1x80xi32, #tpu.memory_space<vmem>>
          %dma_start3A_430 = tpu.memref_squeeze %dma_start3A_429 : memref<1x80xi32, #tpu.memory_space<vmem>> -> memref<80xi32, #tpu.memory_space<vmem>>
          %dma_start3A_431 = tpu.memref_slice %arg3[%add3A_419] : memref<320000xi32, #tpu.memory_space<hbm>> -> memref<80xi32, #tpu.memory_space<hbm>>
          tpu.enqueue_dma source(%dma_start3A_431 : memref<80xi32, #tpu.memory_space<hbm>>) target(%dma_start3A_430 : memref<80xi32, #tpu.memory_space<vmem>>) target_semaphore(%dma_start3A_427 : memref<!tpu.dma_semaphore, #tpu.memory_space<semaphore_mem>>)
          %mul3A_432 = arith.constant 80 : i32
          %mul3A_433 = arith.muli %add3A_381, %mul3A_432 : i32
          %add3A_434 = arith.addi %mul3A_2, %mul3A_433 : i32
          %dma_wait3A_435 = arith.constant 0 : i32
          %dma_wait3A_436 = arith.constant 0 : i32
          %dma_wait3A_437 = arith.constant 0 : i32
          %dma_wait3A_438 = tpu.memref_slice %arg7[%dma_wait3A_435, %dma_wait3A_437] : memref<4x80xi32, #tpu.memory_space<vmem>> -> memref<1x80xi32, #tpu.memory_space<vmem>>
          %dma_wait3A_439 = tpu.memref_squeeze %dma_wait3A_438 : memref<1x80xi32, #tpu.memory_space<vmem>> -> memref<80xi32, #tpu.memory_space<vmem>>
          %dma_wait3A_440 = tpu.memref_slice %arg2[%add3A_434] : memref<320000xi32, #tpu.memory_space<hbm>> -> memref<80xi32, #tpu.memory_space<hbm>>
          %dma_wait3A_441 = tpu.memref_slice %arg11[%dma_wait3A_436] : memref<4x!tpu.dma_semaphore, #tpu.memory_space<semaphore_mem>> -> memref<1x!tpu.dma_semaphore, #tpu.memory_space<semaphore_mem>>
          %dma_wait3A_442 = tpu.memref_squeeze %dma_wait3A_441 : memref<1x!tpu.dma_semaphore, #tpu.memory_space<semaphore_mem>> -> memref<!tpu.dma_semaphore, #tpu.memory_space<semaphore_mem>>
          %dma_wait3A_443 = arith.constant 0 : i32
          %dma_wait3A_444 = tpu.memref_slice %arg7[%dma_wait3A_435, %dma_wait3A_443] : memref<4x80xi32, #tpu.memory_space<vmem>> -> memref<1x80xi32, #tpu.memory_space<vmem>>
          %dma_wait3A_445 = tpu.memref_squeeze %dma_wait3A_444 : memref<1x80xi32, #tpu.memory_space<vmem>> -> memref<80xi32, #tpu.memory_space<vmem>>
          %dma_wait3A_446 = tpu.memref_slice %arg2[%add3A_434] : memref<320000xi32, #tpu.memory_space<hbm>> -> memref<80xi32, #tpu.memory_space<hbm>>
          tpu.wait_dma2 semaphore(%dma_wait3A_442 : memref<!tpu.dma_semaphore, #tpu.memory_space<semaphore_mem>>) src(%dma_wait3A_446 : memref<80xi32, #tpu.memory_space<hbm>>) dst(%dma_wait3A_445 : memref<80xi32, #tpu.memory_space<vmem>>)
          %dma_start3A_447 = arith.constant 0 : i32
          %dma_start3A_448 = arith.constant 0 : i32
          %dma_start3A_449 = arith.constant 0 : i32
          %dma_start3A_450 = arith.constant 0 : i32
          %dma_start3A_451 = arith.constant 0 : i32
          %dma_start3A_452 = tpu.memref_slice %arg9[%dma_start3A_448, %dma_start3A_450, %dma_start3A_451] : memref<4x80x128xf32, #tpu.memory_space<vmem>> -> memref<1x80x128xf32, #tpu.memory_space<vmem>>
          %dma_start3A_453 = tpu.memref_squeeze %dma_start3A_452 : memref<1x80x128xf32, #tpu.memory_space<vmem>> -> memref<80x128xf32, #tpu.memory_space<vmem>>
          %dma_start3A_454 = arith.constant 0 : i32
          %dma_start3A_455 = tpu.memref_slice %arg7[%dma_start3A_447, %dma_start3A_454] : memref<4x80xi32, #tpu.memory_space<vmem>> -> memref<1x80xi32, #tpu.memory_space<vmem>>
          %dma_start3A_456 = tpu.memref_squeeze %dma_start3A_455 : memref<1x80xi32, #tpu.memory_space<vmem>> -> memref<80xi32, #tpu.memory_space<vmem>>
          %dma_start3A_457 = arith.constant 0 : i32
          %dma_start3A_458 = arith.constant 0 : i32
          %dma_start3A_459 = tpu.memref_slice %arg4[%dma_start3A_457, %dma_start3A_458] : memref<10000x128xf32, #tpu.memory_space<hbm>> -> memref<10000x128xf32, #tpu.memory_space<hbm>>
          %dma_start3A_460 = tpu.memref_slice %arg13[%dma_start3A_449] : memref<4x!tpu.dma_semaphore, #tpu.memory_space<semaphore_mem>> -> memref<1x!tpu.dma_semaphore, #tpu.memory_space<semaphore_mem>>
          %dma_start3A_461 = tpu.memref_squeeze %dma_start3A_460 : memref<1x!tpu.dma_semaphore, #tpu.memory_space<semaphore_mem>> -> memref<!tpu.dma_semaphore, #tpu.memory_space<semaphore_mem>>
          tpu.enqueue_indirect_dma source(%dma_start3A_459 : memref<10000x128xf32, #tpu.memory_space<hbm>>) target(%dma_start3A_453 : memref<80x128xf32, #tpu.memory_space<vmem>>) offsets(%dma_start3A_456 : memref<80xi32, #tpu.memory_space<vmem>>) semaphore(%dma_start3A_461 : memref<!tpu.dma_semaphore, #tpu.memory_space<semaphore_mem>>)
        } else {
        }
      } else {
      }
      %mul3A_308 = arith.constant 4 : i32
      %mul3A_309 = arith.muli %scan3A_301, %mul3A_308 : i32
      %add3A_310 = arith.constant 1 : i32
      %add3A_311 = arith.addi %mul3A_309, %add3A_310 : i32
      %lt3A_312 = arith.constant 125 : i32
      %lt3A_313 = arith.cmpi slt, %add3A_311, %lt3A_312 : i32
      %convert_element_type3A_314 = arith.extui %lt3A_313 : i1 to i32
      %cond3A_315 = arith.constant 0 : i32
      %cond3A_316 = arith.cmpi ne, %convert_element_type3A_314, %cond3A_315 : i32
      scf.if %cond3A_316 {
        %dma_wait3A_335 = arith.constant 1 : i32
        %dma_wait3A_336 = arith.constant 1 : i32
        %dma_wait3A_337 = arith.constant 1 : i32
        %dma_wait3A_338 = arith.constant 0 : i32
        %dma_wait3A_339 = arith.constant 0 : i32
        %dma_wait3A_340 = tpu.memref_slice %arg9[%dma_wait3A_336, %dma_wait3A_338, %dma_wait3A_339] : memref<4x80x128xf32, #tpu.memory_space<vmem>> -> memref<1x80x128xf32, #tpu.memory_space<vmem>>
        %dma_wait3A_341 = tpu.memref_squeeze %dma_wait3A_340 : memref<1x80x128xf32, #tpu.memory_space<vmem>> -> memref<80x128xf32, #tpu.memory_space<vmem>>
        %dma_wait3A_342 = arith.constant 0 : i32
        %dma_wait3A_343 = tpu.memref_slice %arg7[%dma_wait3A_335, %dma_wait3A_342] : memref<4x80xi32, #tpu.memory_space<vmem>> -> memref<1x80xi32, #tpu.memory_space<vmem>>
        %dma_wait3A_344 = tpu.memref_squeeze %dma_wait3A_343 : memref<1x80xi32, #tpu.memory_space<vmem>> -> memref<80xi32, #tpu.memory_space<vmem>>
        %dma_wait3A_345 = arith.constant 0 : i32
        %dma_wait3A_346 = arith.constant 0 : i32
        %dma_wait3A_347 = tpu.memref_slice %arg4[%dma_wait3A_345, %dma_wait3A_346] : memref<10000x128xf32, #tpu.memory_space<hbm>> -> memref<10000x128xf32, #tpu.memory_space<hbm>>
        %dma_wait3A_348 = tpu.memref_slice %arg13[%dma_wait3A_337] : memref<4x!tpu.dma_semaphore, #tpu.memory_space<semaphore_mem>> -> memref<1x!tpu.dma_semaphore, #tpu.memory_space<semaphore_mem>>
        %dma_wait3A_349 = tpu.memref_squeeze %dma_wait3A_348 : memref<1x!tpu.dma_semaphore, #tpu.memory_space<semaphore_mem>> -> memref<!tpu.dma_semaphore, #tpu.memory_space<semaphore_mem>>
        tpu.wait_indirect_dma semaphore(%dma_wait3A_349 : memref<!tpu.dma_semaphore, #tpu.memory_space<semaphore_mem>>) src(%dma_wait3A_347 : memref<10000x128xf32, #tpu.memory_space<hbm>>) dst(%dma_wait3A_341 : memref<80x128xf32, #tpu.memory_space<vmem>>)
        %mul3A_350 = arith.constant 80 : i32
        %mul3A_351 = arith.muli %add3A_311, %mul3A_350 : i32
        %add3A_352 = arith.addi %mul3A_2, %mul3A_351 : i32
        %dma_wait3A_353 = arith.constant 1 : i32
        %dma_wait3A_354 = arith.constant 1 : i32
        %dma_wait3A_355 = arith.constant 0 : i32
        %dma_wait3A_356 = tpu.memref_slice %arg8[%dma_wait3A_353, %dma_wait3A_355] : memref<4x80xi32, #tpu.memory_space<vmem>> -> memref<1x80xi32, #tpu.memory_space<vmem>>
        %dma_wait3A_357 = tpu.memref_squeeze %dma_wait3A_356 : memref<1x80xi32, #tpu.memory_space<vmem>> -> memref<80xi32, #tpu.memory_space<vmem>>
        %dma_wait3A_358 = tpu.memref_slice %arg3[%add3A_352] : memref<320000xi32, #tpu.memory_space<hbm>> -> memref<80xi32, #tpu.memory_space<hbm>>
        %dma_wait3A_359 = tpu.memref_slice %arg12[%dma_wait3A_354] : memref<4x!tpu.dma_semaphore, #tpu.memory_space<semaphore_mem>> -> memref<1x!tpu.dma_semaphore, #tpu.memory_space<semaphore_mem>>
        %dma_wait3A_360 = tpu.memref_squeeze %dma_wait3A_359 : memref<1x!tpu.dma_semaphore, #tpu.memory_space<semaphore_mem>> -> memref<!tpu.dma_semaphore, #tpu.memory_space<semaphore_mem>>
        %dma_wait3A_361 = arith.constant 0 : i32
        %dma_wait3A_362 = tpu.memref_slice %arg8[%dma_wait3A_353, %dma_wait3A_361] : memref<4x80xi32, #tpu.memory_space<vmem>> -> memref<1x80xi32, #tpu.memory_space<vmem>>
        %dma_wait3A_363 = tpu.memref_squeeze %dma_wait3A_362 : memref<1x80xi32, #tpu.memory_space<vmem>> -> memref<80xi32, #tpu.memory_space<vmem>>
        %dma_wait3A_364 = tpu.memref_slice %arg3[%add3A_352] : memref<320000xi32, #tpu.memory_space<hbm>> -> memref<80xi32, #tpu.memory_space<hbm>>
        tpu.wait_dma2 semaphore(%dma_wait3A_360 : memref<!tpu.dma_semaphore, #tpu.memory_space<semaphore_mem>>) src(%dma_wait3A_364 : memref<80xi32, #tpu.memory_space<hbm>>) dst(%dma_wait3A_363 : memref<80xi32, #tpu.memory_space<vmem>>)
        %dma_start3A_365 = arith.constant 1 : i32
        %dma_start3A_366 = arith.constant 1 : i32
        %dma_start3A_367 = arith.constant 1 : i32
        %dma_start3A_368 = arith.constant 0 : i32
        %dma_start3A_369 = arith.constant 0 : i32
        %dma_start3A_370 = tpu.memref_slice %arg9[%dma_start3A_365, %dma_start3A_368, %dma_start3A_369] : memref<4x80x128xf32, #tpu.memory_space<vmem>> -> memref<1x80x128xf32, #tpu.memory_space<vmem>>
        %dma_start3A_371 = tpu.memref_squeeze %dma_start3A_370 : memref<1x80x128xf32, #tpu.memory_space<vmem>> -> memref<80x128xf32, #tpu.memory_space<vmem>>
        %dma_start3A_372 = arith.constant 0 : i32
        %dma_start3A_373 = tpu.memref_slice %arg8[%dma_start3A_366, %dma_start3A_372] : memref<4x80xi32, #tpu.memory_space<vmem>> -> memref<1x80xi32, #tpu.memory_space<vmem>>
        %dma_start3A_374 = tpu.memref_squeeze %dma_start3A_373 : memref<1x80xi32, #tpu.memory_space<vmem>> -> memref<80xi32, #tpu.memory_space<vmem>>
        %dma_start3A_375 = arith.constant 0 : i32
        %dma_start3A_376 = arith.constant 0 : i32
        %dma_start3A_377 = tpu.memref_slice %arg10[%dma_start3A_375, %dma_start3A_376] : memref<10112x128xf32, #tpu.memory_space<vmem_shared>> -> memref<10112x128xf32, #tpu.memory_space<vmem_shared>>
        %dma_start3A_378 = tpu.memref_slice %arg14[%dma_start3A_367] : memref<4x!tpu.dma_semaphore, #tpu.memory_space<semaphore_mem>> -> memref<1x!tpu.dma_semaphore, #tpu.memory_space<semaphore_mem>>
        %dma_start3A_379 = tpu.memref_squeeze %dma_start3A_378 : memref<1x!tpu.dma_semaphore, #tpu.memory_space<semaphore_mem>> -> memref<!tpu.dma_semaphore, #tpu.memory_space<semaphore_mem>>
        tpu.enqueue_indirect_dma source(%dma_start3A_371 : memref<80x128xf32, #tpu.memory_space<vmem>>) target(%dma_start3A_377 : memref<10112x128xf32, #tpu.memory_space<vmem_shared>>) offsets(%dma_start3A_374 : memref<80xi32, #tpu.memory_space<vmem>>) semaphore(%dma_start3A_379 : memref<!tpu.dma_semaphore, #tpu.memory_space<semaphore_mem>>) {add = true}
        %add3A_380 = arith.constant 4 : i32
        %add3A_381 = arith.addi %add3A_311, %add3A_380 : i32
        %lt3A_382 = arith.constant 125 : i32
        %lt3A_383 = arith.cmpi slt, %add3A_381, %lt3A_382 : i32
        %convert_element_type3A_384 = arith.extui %lt3A_383 : i1 to i32
        %cond3A_385 = arith.constant 0 : i32
        %cond3A_386 = arith.cmpi ne, %convert_element_type3A_384, %cond3A_385 : i32
        scf.if %cond3A_386 {
          %mul3A_387 = arith.constant 80 : i32
          %mul3A_388 = arith.muli %add3A_381, %mul3A_387 : i32
          %add3A_389 = arith.addi %mul3A_2, %mul3A_388 : i32
          %dma_start3A_390 = arith.constant 1 : i32
          %dma_start3A_391 = arith.constant 1 : i32
          %dma_start3A_392 = arith.constant 0 : i32
          %dma_start3A_393 = tpu.memref_slice %arg7[%dma_start3A_390, %dma_start3A_392] : memref<4x80xi32, #tpu.memory_space<vmem>> -> memref<1x80xi32, #tpu.memory_space<vmem>>
          %dma_start3A_394 = tpu.memref_squeeze %dma_start3A_393 : memref<1x80xi32, #tpu.memory_space<vmem>> -> memref<80xi32, #tpu.memory_space<vmem>>
          %dma_start3A_395 = tpu.memref_slice %arg2[%add3A_389] : memref<320000xi32, #tpu.memory_space<hbm>> -> memref<80xi32, #tpu.memory_space<hbm>>
          %dma_start3A_396 = tpu.memref_slice %arg11[%dma_start3A_391] : memref<4x!tpu.dma_semaphore, #tpu.memory_space<semaphore_mem>> -> memref<1x!tpu.dma_semaphore, #tpu.memory_space<semaphore_mem>>
          %dma_start3A_397 = tpu.memref_squeeze %dma_start3A_396 : memref<1x!tpu.dma_semaphore, #tpu.memory_space<semaphore_mem>> -> memref<!tpu.dma_semaphore, #tpu.memory_space<semaphore_mem>>
          %dma_start3A_398 = arith.constant 0 : i32
          %dma_start3A_399 = tpu.memref_slice %arg7[%dma_start3A_390, %dma_start3A_398] : memref<4x80xi32, #tpu.memory_space<vmem>> -> memref<1x80xi32, #tpu.memory_space<vmem>>
          %dma_start3A_400 = tpu.memref_squeeze %dma_start3A_399 : memref<1x80xi32, #tpu.memory_space<vmem>> -> memref<80xi32, #tpu.memory_space<vmem>>
          %dma_start3A_401 = tpu.memref_slice %arg2[%add3A_389] : memref<320000xi32, #tpu.memory_space<hbm>> -> memref<80xi32, #tpu.memory_space<hbm>>
          tpu.enqueue_dma source(%dma_start3A_401 : memref<80xi32, #tpu.memory_space<hbm>>) target(%dma_start3A_400 : memref<80xi32, #tpu.memory_space<vmem>>) target_semaphore(%dma_start3A_397 : memref<!tpu.dma_semaphore, #tpu.memory_space<semaphore_mem>>)
          %dma_wait3A_402 = arith.constant 1 : i32
          %dma_wait3A_403 = arith.constant 1 : i32
          %dma_wait3A_404 = arith.constant 1 : i32
          %dma_wait3A_405 = arith.constant 0 : i32
          %dma_wait3A_406 = arith.constant 0 : i32
          %dma_wait3A_407 = tpu.memref_slice %arg9[%dma_wait3A_402, %dma_wait3A_405, %dma_wait3A_406] : memref<4x80x128xf32, #tpu.memory_space<vmem>> -> memref<1x80x128xf32, #tpu.memory_space<vmem>>
          %dma_wait3A_408 = tpu.memref_squeeze %dma_wait3A_407 : memref<1x80x128xf32, #tpu.memory_space<vmem>> -> memref<80x128xf32, #tpu.memory_space<vmem>>
          %dma_wait3A_409 = arith.constant 0 : i32
          %dma_wait3A_410 = tpu.memref_slice %arg8[%dma_wait3A_403, %dma_wait3A_409] : memref<4x80xi32, #tpu.memory_space<vmem>> -> memref<1x80xi32, #tpu.memory_space<vmem>>
          %dma_wait3A_411 = tpu.memref_squeeze %dma_wait3A_410 : memref<1x80xi32, #tpu.memory_space<vmem>> -> memref<80xi32, #tpu.memory_space<vmem>>
          %dma_wait3A_412 = arith.constant 0 : i32
          %dma_wait3A_413 = arith.constant 0 : i32
          %dma_wait3A_414 = tpu.memref_slice %arg10[%dma_wait3A_412, %dma_wait3A_413] : memref<10112x128xf32, #tpu.memory_space<vmem_shared>> -> memref<10112x128xf32, #tpu.memory_space<vmem_shared>>
          %dma_wait3A_415 = tpu.memref_slice %arg14[%dma_wait3A_404] : memref<4x!tpu.dma_semaphore, #tpu.memory_space<semaphore_mem>> -> memref<1x!tpu.dma_semaphore, #tpu.memory_space<semaphore_mem>>
          %dma_wait3A_416 = tpu.memref_squeeze %dma_wait3A_415 : memref<1x!tpu.dma_semaphore, #tpu.memory_space<semaphore_mem>> -> memref<!tpu.dma_semaphore, #tpu.memory_space<semaphore_mem>>
          tpu.wait_indirect_dma semaphore(%dma_wait3A_416 : memref<!tpu.dma_semaphore, #tpu.memory_space<semaphore_mem>>) src(%dma_wait3A_408 : memref<80x128xf32, #tpu.memory_space<vmem>>) dst(%dma_wait3A_414 : memref<10112x128xf32, #tpu.memory_space<vmem_shared>>)
          %mul3A_417 = arith.constant 80 : i32
          %mul3A_418 = arith.muli %add3A_381, %mul3A_417 : i32
          %add3A_419 = arith.addi %mul3A_2, %mul3A_418 : i32
          %dma_start3A_420 = arith.constant 1 : i32
          %dma_start3A_421 = arith.constant 1 : i32
          %dma_start3A_422 = arith.constant 0 : i32
          %dma_start3A_423 = tpu.memref_slice %arg8[%dma_start3A_420, %dma_start3A_422] : memref<4x80xi32, #tpu.memory_space<vmem>> -> memref<1x80xi32, #tpu.memory_space<vmem>>
          %dma_start3A_424 = tpu.memref_squeeze %dma_start3A_423 : memref<1x80xi32, #tpu.memory_space<vmem>> -> memref<80xi32, #tpu.memory_space<vmem>>
          %dma_start3A_425 = tpu.memref_slice %arg3[%add3A_419] : memref<320000xi32, #tpu.memory_space<hbm>> -> memref<80xi32, #tpu.memory_space<hbm>>
          %dma_start3A_426 = tpu.memref_slice %arg12[%dma_start3A_421] : memref<4x!tpu.dma_semaphore, #tpu.memory_space<semaphore_mem>> -> memref<1x!tpu.dma_semaphore, #tpu.memory_space<semaphore_mem>>
          %dma_start3A_427 = tpu.memref_squeeze %dma_start3A_426 : memref<1x!tpu.dma_semaphore, #tpu.memory_space<semaphore_mem>> -> memref<!tpu.dma_semaphore, #tpu.memory_space<semaphore_mem>>
          %dma_start3A_428 = arith.constant 0 : i32
          %dma_start3A_429 = tpu.memref_slice %arg8[%dma_start3A_420, %dma_start3A_428] : memref<4x80xi32, #tpu.memory_space<vmem>> -> memref<1x80xi32, #tpu.memory_space<vmem>>
          %dma_start3A_430 = tpu.memref_squeeze %dma_start3A_429 : memref<1x80xi32, #tpu.memory_space<vmem>> -> memref<80xi32, #tpu.memory_space<vmem>>
          %dma_start3A_431 = tpu.memref_slice %arg3[%add3A_419] : memref<320000xi32, #tpu.memory_space<hbm>> -> memref<80xi32, #tpu.memory_space<hbm>>
          tpu.enqueue_dma source(%dma_start3A_431 : memref<80xi32, #tpu.memory_space<hbm>>) target(%dma_start3A_430 : memref<80xi32, #tpu.memory_space<vmem>>) target_semaphore(%dma_start3A_427 : memref<!tpu.dma_semaphore, #tpu.memory_space<semaphore_mem>>)
          %mul3A_432 = arith.constant 80 : i32
          %mul3A_433 = arith.muli %add3A_381, %mul3A_432 : i32
          %add3A_434 = arith.addi %mul3A_2, %mul3A_433 : i32
          %dma_wait3A_435 = arith.constant 1 : i32
          %dma_wait3A_436 = arith.constant 1 : i32
          %dma_wait3A_437 = arith.constant 0 : i32
          %dma_wait3A_438 = tpu.memref_slice %arg7[%dma_wait3A_435, %dma_wait3A_437] : memref<4x80xi32, #tpu.memory_space<vmem>> -> memref<1x80xi32, #tpu.memory_space<vmem>>
          %dma_wait3A_439 = tpu.memref_squeeze %dma_wait3A_438 : memref<1x80xi32, #tpu.memory_space<vmem>> -> memref<80xi32, #tpu.memory_space<vmem>>
          %dma_wait3A_440 = tpu.memref_slice %arg2[%add3A_434] : memref<320000xi32, #tpu.memory_space<hbm>> -> memref<80xi32, #tpu.memory_space<hbm>>
          %dma_wait3A_441 = tpu.memref_slice %arg11[%dma_wait3A_436] : memref<4x!tpu.dma_semaphore, #tpu.memory_space<semaphore_mem>> -> memref<1x!tpu.dma_semaphore, #tpu.memory_space<semaphore_mem>>
          %dma_wait3A_442 = tpu.memref_squeeze %dma_wait3A_441 : memref<1x!tpu.dma_semaphore, #tpu.memory_space<semaphore_mem>> -> memref<!tpu.dma_semaphore, #tpu.memory_space<semaphore_mem>>
          %dma_wait3A_443 = arith.constant 0 : i32
          %dma_wait3A_444 = tpu.memref_slice %arg7[%dma_wait3A_435, %dma_wait3A_443] : memref<4x80xi32, #tpu.memory_space<vmem>> -> memref<1x80xi32, #tpu.memory_space<vmem>>
          %dma_wait3A_445 = tpu.memref_squeeze %dma_wait3A_444 : memref<1x80xi32, #tpu.memory_space<vmem>> -> memref<80xi32, #tpu.memory_space<vmem>>
          %dma_wait3A_446 = tpu.memref_slice %arg2[%add3A_434] : memref<320000xi32, #tpu.memory_space<hbm>> -> memref<80xi32, #tpu.memory_space<hbm>>
          tpu.wait_dma2 semaphore(%dma_wait3A_442 : memref<!tpu.dma_semaphore, #tpu.memory_space<semaphore_mem>>) src(%dma_wait3A_446 : memref<80xi32, #tpu.memory_space<hbm>>) dst(%dma_wait3A_445 : memref<80xi32, #tpu.memory_space<vmem>>)
          %dma_start3A_447 = arith.constant 1 : i32
          %dma_start3A_448 = arith.constant 1 : i32
          %dma_start3A_449 = arith.constant 1 : i32
          %dma_start3A_450 = arith.constant 0 : i32
          %dma_start3A_451 = arith.constant 0 : i32
          %dma_start3A_452 = tpu.memref_slice %arg9[%dma_start3A_448, %dma_start3A_450, %dma_start3A_451] : memref<4x80x128xf32, #tpu.memory_space<vmem>> -> memref<1x80x128xf32, #tpu.memory_space<vmem>>
          %dma_start3A_453 = tpu.memref_squeeze %dma_start3A_452 : memref<1x80x128xf32, #tpu.memory_space<vmem>> -> memref<80x128xf32, #tpu.memory_space<vmem>>
          %dma_start3A_454 = arith.constant 0 : i32
          %dma_start3A_455 = tpu.memref_slice %arg7[%dma_start3A_447, %dma_start3A_454] : memref<4x80xi32, #tpu.memory_space<vmem>> -> memref<1x80xi32, #tpu.memory_space<vmem>>
          %dma_start3A_456 = tpu.memref_squeeze %dma_start3A_455 : memref<1x80xi32, #tpu.memory_space<vmem>> -> memref<80xi32, #tpu.memory_space<vmem>>
          %dma_start3A_457 = arith.constant 0 : i32
          %dma_start3A_458 = arith.constant 0 : i32
          %dma_start3A_459 = tpu.memref_slice %arg4[%dma_start3A_457, %dma_start3A_458] : memref<10000x128xf32, #tpu.memory_space<hbm>> -> memref<10000x128xf32, #tpu.memory_space<hbm>>
          %dma_start3A_460 = tpu.memref_slice %arg13[%dma_start3A_449] : memref<4x!tpu.dma_semaphore, #tpu.memory_space<semaphore_mem>> -> memref<1x!tpu.dma_semaphore, #tpu.memory_space<semaphore_mem>>
          %dma_start3A_461 = tpu.memref_squeeze %dma_start3A_460 : memref<1x!tpu.dma_semaphore, #tpu.memory_space<semaphore_mem>> -> memref<!tpu.dma_semaphore, #tpu.memory_space<semaphore_mem>>
          tpu.enqueue_indirect_dma source(%dma_start3A_459 : memref<10000x128xf32, #tpu.memory_space<hbm>>) target(%dma_start3A_453 : memref<80x128xf32, #tpu.memory_space<vmem>>) offsets(%dma_start3A_456 : memref<80xi32, #tpu.memory_space<vmem>>) semaphore(%dma_start3A_461 : memref<!tpu.dma_semaphore, #tpu.memory_space<semaphore_mem>>)
        } else {
        }
      } else {
      }
      %mul3A_317 = arith.constant 4 : i32
      %mul3A_318 = arith.muli %scan3A_301, %mul3A_317 : i32
      %add3A_319 = arith.constant 2 : i32
      %add3A_320 = arith.addi %mul3A_318, %add3A_319 : i32
      %lt3A_321 = arith.constant 125 : i32
      %lt3A_322 = arith.cmpi slt, %add3A_320, %lt3A_321 : i32
      %convert_element_type3A_323 = arith.extui %lt3A_322 : i1 to i32
      %cond3A_324 = arith.constant 0 : i32
      %cond3A_325 = arith.cmpi ne, %convert_element_type3A_323, %cond3A_324 : i32
      scf.if %cond3A_325 {
        %dma_wait3A_335 = arith.constant 2 : i32
        %dma_wait3A_336 = arith.constant 2 : i32
        %dma_wait3A_337 = arith.constant 2 : i32
        %dma_wait3A_338 = arith.constant 0 : i32
        %dma_wait3A_339 = arith.constant 0 : i32
        %dma_wait3A_340 = tpu.memref_slice %arg9[%dma_wait3A_336, %dma_wait3A_338, %dma_wait3A_339] : memref<4x80x128xf32, #tpu.memory_space<vmem>> -> memref<1x80x128xf32, #tpu.memory_space<vmem>>
        %dma_wait3A_341 = tpu.memref_squeeze %dma_wait3A_340 : memref<1x80x128xf32, #tpu.memory_space<vmem>> -> memref<80x128xf32, #tpu.memory_space<vmem>>
        %dma_wait3A_342 = arith.constant 0 : i32
        %dma_wait3A_343 = tpu.memref_slice %arg7[%dma_wait3A_335, %dma_wait3A_342] : memref<4x80xi32, #tpu.memory_space<vmem>> -> memref<1x80xi32, #tpu.memory_space<vmem>>
        %dma_wait3A_344 = tpu.memref_squeeze %dma_wait3A_343 : memref<1x80xi32, #tpu.memory_space<vmem>> -> memref<80xi32, #tpu.memory_space<vmem>>
        %dma_wait3A_345 = arith.constant 0 : i32
        %dma_wait3A_346 = arith.constant 0 : i32
        %dma_wait3A_347 = tpu.memref_slice %arg4[%dma_wait3A_345, %dma_wait3A_346] : memref<10000x128xf32, #tpu.memory_space<hbm>> -> memref<10000x128xf32, #tpu.memory_space<hbm>>
        %dma_wait3A_348 = tpu.memref_slice %arg13[%dma_wait3A_337] : memref<4x!tpu.dma_semaphore, #tpu.memory_space<semaphore_mem>> -> memref<1x!tpu.dma_semaphore, #tpu.memory_space<semaphore_mem>>
        %dma_wait3A_349 = tpu.memref_squeeze %dma_wait3A_348 : memref<1x!tpu.dma_semaphore, #tpu.memory_space<semaphore_mem>> -> memref<!tpu.dma_semaphore, #tpu.memory_space<semaphore_mem>>
        tpu.wait_indirect_dma semaphore(%dma_wait3A_349 : memref<!tpu.dma_semaphore, #tpu.memory_space<semaphore_mem>>) src(%dma_wait3A_347 : memref<10000x128xf32, #tpu.memory_space<hbm>>) dst(%dma_wait3A_341 : memref<80x128xf32, #tpu.memory_space<vmem>>)
        %mul3A_350 = arith.constant 80 : i32
        %mul3A_351 = arith.muli %add3A_320, %mul3A_350 : i32
        %add3A_352 = arith.addi %mul3A_2, %mul3A_351 : i32
        %dma_wait3A_353 = arith.constant 2 : i32
        %dma_wait3A_354 = arith.constant 2 : i32
        %dma_wait3A_355 = arith.constant 0 : i32
        %dma_wait3A_356 = tpu.memref_slice %arg8[%dma_wait3A_353, %dma_wait3A_355] : memref<4x80xi32, #tpu.memory_space<vmem>> -> memref<1x80xi32, #tpu.memory_space<vmem>>
        %dma_wait3A_357 = tpu.memref_squeeze %dma_wait3A_356 : memref<1x80xi32, #tpu.memory_space<vmem>> -> memref<80xi32, #tpu.memory_space<vmem>>
        %dma_wait3A_358 = tpu.memref_slice %arg3[%add3A_352] : memref<320000xi32, #tpu.memory_space<hbm>> -> memref<80xi32, #tpu.memory_space<hbm>>
        %dma_wait3A_359 = tpu.memref_slice %arg12[%dma_wait3A_354] : memref<4x!tpu.dma_semaphore, #tpu.memory_space<semaphore_mem>> -> memref<1x!tpu.dma_semaphore, #tpu.memory_space<semaphore_mem>>
        %dma_wait3A_360 = tpu.memref_squeeze %dma_wait3A_359 : memref<1x!tpu.dma_semaphore, #tpu.memory_space<semaphore_mem>> -> memref<!tpu.dma_semaphore, #tpu.memory_space<semaphore_mem>>
        %dma_wait3A_361 = arith.constant 0 : i32
        %dma_wait3A_362 = tpu.memref_slice %arg8[%dma_wait3A_353, %dma_wait3A_361] : memref<4x80xi32, #tpu.memory_space<vmem>> -> memref<1x80xi32, #tpu.memory_space<vmem>>
        %dma_wait3A_363 = tpu.memref_squeeze %dma_wait3A_362 : memref<1x80xi32, #tpu.memory_space<vmem>> -> memref<80xi32, #tpu.memory_space<vmem>>
        %dma_wait3A_364 = tpu.memref_slice %arg3[%add3A_352] : memref<320000xi32, #tpu.memory_space<hbm>> -> memref<80xi32, #tpu.memory_space<hbm>>
        tpu.wait_dma2 semaphore(%dma_wait3A_360 : memref<!tpu.dma_semaphore, #tpu.memory_space<semaphore_mem>>) src(%dma_wait3A_364 : memref<80xi32, #tpu.memory_space<hbm>>) dst(%dma_wait3A_363 : memref<80xi32, #tpu.memory_space<vmem>>)
        %dma_start3A_365 = arith.constant 2 : i32
        %dma_start3A_366 = arith.constant 2 : i32
        %dma_start3A_367 = arith.constant 2 : i32
        %dma_start3A_368 = arith.constant 0 : i32
        %dma_start3A_369 = arith.constant 0 : i32
        %dma_start3A_370 = tpu.memref_slice %arg9[%dma_start3A_365, %dma_start3A_368, %dma_start3A_369] : memref<4x80x128xf32, #tpu.memory_space<vmem>> -> memref<1x80x128xf32, #tpu.memory_space<vmem>>
        %dma_start3A_371 = tpu.memref_squeeze %dma_start3A_370 : memref<1x80x128xf32, #tpu.memory_space<vmem>> -> memref<80x128xf32, #tpu.memory_space<vmem>>
        %dma_start3A_372 = arith.constant 0 : i32
        %dma_start3A_373 = tpu.memref_slice %arg8[%dma_start3A_366, %dma_start3A_372] : memref<4x80xi32, #tpu.memory_space<vmem>> -> memref<1x80xi32, #tpu.memory_space<vmem>>
        %dma_start3A_374 = tpu.memref_squeeze %dma_start3A_373 : memref<1x80xi32, #tpu.memory_space<vmem>> -> memref<80xi32, #tpu.memory_space<vmem>>
        %dma_start3A_375 = arith.constant 0 : i32
        %dma_start3A_376 = arith.constant 0 : i32
        %dma_start3A_377 = tpu.memref_slice %arg10[%dma_start3A_375, %dma_start3A_376] : memref<10112x128xf32, #tpu.memory_space<vmem_shared>> -> memref<10112x128xf32, #tpu.memory_space<vmem_shared>>
        %dma_start3A_378 = tpu.memref_slice %arg14[%dma_start3A_367] : memref<4x!tpu.dma_semaphore, #tpu.memory_space<semaphore_mem>> -> memref<1x!tpu.dma_semaphore, #tpu.memory_space<semaphore_mem>>
        %dma_start3A_379 = tpu.memref_squeeze %dma_start3A_378 : memref<1x!tpu.dma_semaphore, #tpu.memory_space<semaphore_mem>> -> memref<!tpu.dma_semaphore, #tpu.memory_space<semaphore_mem>>
        tpu.enqueue_indirect_dma source(%dma_start3A_371 : memref<80x128xf32, #tpu.memory_space<vmem>>) target(%dma_start3A_377 : memref<10112x128xf32, #tpu.memory_space<vmem_shared>>) offsets(%dma_start3A_374 : memref<80xi32, #tpu.memory_space<vmem>>) semaphore(%dma_start3A_379 : memref<!tpu.dma_semaphore, #tpu.memory_space<semaphore_mem>>) {add = true}
        %add3A_380 = arith.constant 4 : i32
        %add3A_381 = arith.addi %add3A_320, %add3A_380 : i32
        %lt3A_382 = arith.constant 125 : i32
        %lt3A_383 = arith.cmpi slt, %add3A_381, %lt3A_382 : i32
        %convert_element_type3A_384 = arith.extui %lt3A_383 : i1 to i32
        %cond3A_385 = arith.constant 0 : i32
        %cond3A_386 = arith.cmpi ne, %convert_element_type3A_384, %cond3A_385 : i32
        scf.if %cond3A_386 {
          %mul3A_387 = arith.constant 80 : i32
          %mul3A_388 = arith.muli %add3A_381, %mul3A_387 : i32
          %add3A_389 = arith.addi %mul3A_2, %mul3A_388 : i32
          %dma_start3A_390 = arith.constant 2 : i32
          %dma_start3A_391 = arith.constant 2 : i32
          %dma_start3A_392 = arith.constant 0 : i32
          %dma_start3A_393 = tpu.memref_slice %arg7[%dma_start3A_390, %dma_start3A_392] : memref<4x80xi32, #tpu.memory_space<vmem>> -> memref<1x80xi32, #tpu.memory_space<vmem>>
          %dma_start3A_394 = tpu.memref_squeeze %dma_start3A_393 : memref<1x80xi32, #tpu.memory_space<vmem>> -> memref<80xi32, #tpu.memory_space<vmem>>
          %dma_start3A_395 = tpu.memref_slice %arg2[%add3A_389] : memref<320000xi32, #tpu.memory_space<hbm>> -> memref<80xi32, #tpu.memory_space<hbm>>
          %dma_start3A_396 = tpu.memref_slice %arg11[%dma_start3A_391] : memref<4x!tpu.dma_semaphore, #tpu.memory_space<semaphore_mem>> -> memref<1x!tpu.dma_semaphore, #tpu.memory_space<semaphore_mem>>
          %dma_start3A_397 = tpu.memref_squeeze %dma_start3A_396 : memref<1x!tpu.dma_semaphore, #tpu.memory_space<semaphore_mem>> -> memref<!tpu.dma_semaphore, #tpu.memory_space<semaphore_mem>>
          %dma_start3A_398 = arith.constant 0 : i32
          %dma_start3A_399 = tpu.memref_slice %arg7[%dma_start3A_390, %dma_start3A_398] : memref<4x80xi32, #tpu.memory_space<vmem>> -> memref<1x80xi32, #tpu.memory_space<vmem>>
          %dma_start3A_400 = tpu.memref_squeeze %dma_start3A_399 : memref<1x80xi32, #tpu.memory_space<vmem>> -> memref<80xi32, #tpu.memory_space<vmem>>
          %dma_start3A_401 = tpu.memref_slice %arg2[%add3A_389] : memref<320000xi32, #tpu.memory_space<hbm>> -> memref<80xi32, #tpu.memory_space<hbm>>
          tpu.enqueue_dma source(%dma_start3A_401 : memref<80xi32, #tpu.memory_space<hbm>>) target(%dma_start3A_400 : memref<80xi32, #tpu.memory_space<vmem>>) target_semaphore(%dma_start3A_397 : memref<!tpu.dma_semaphore, #tpu.memory_space<semaphore_mem>>)
          %dma_wait3A_402 = arith.constant 2 : i32
          %dma_wait3A_403 = arith.constant 2 : i32
          %dma_wait3A_404 = arith.constant 2 : i32
          %dma_wait3A_405 = arith.constant 0 : i32
          %dma_wait3A_406 = arith.constant 0 : i32
          %dma_wait3A_407 = tpu.memref_slice %arg9[%dma_wait3A_402, %dma_wait3A_405, %dma_wait3A_406] : memref<4x80x128xf32, #tpu.memory_space<vmem>> -> memref<1x80x128xf32, #tpu.memory_space<vmem>>
          %dma_wait3A_408 = tpu.memref_squeeze %dma_wait3A_407 : memref<1x80x128xf32, #tpu.memory_space<vmem>> -> memref<80x128xf32, #tpu.memory_space<vmem>>
          %dma_wait3A_409 = arith.constant 0 : i32
          %dma_wait3A_410 = tpu.memref_slice %arg8[%dma_wait3A_403, %dma_wait3A_409] : memref<4x80xi32, #tpu.memory_space<vmem>> -> memref<1x80xi32, #tpu.memory_space<vmem>>
          %dma_wait3A_411 = tpu.memref_squeeze %dma_wait3A_410 : memref<1x80xi32, #tpu.memory_space<vmem>> -> memref<80xi32, #tpu.memory_space<vmem>>
          %dma_wait3A_412 = arith.constant 0 : i32
          %dma_wait3A_413 = arith.constant 0 : i32
          %dma_wait3A_414 = tpu.memref_slice %arg10[%dma_wait3A_412, %dma_wait3A_413] : memref<10112x128xf32, #tpu.memory_space<vmem_shared>> -> memref<10112x128xf32, #tpu.memory_space<vmem_shared>>
          %dma_wait3A_415 = tpu.memref_slice %arg14[%dma_wait3A_404] : memref<4x!tpu.dma_semaphore, #tpu.memory_space<semaphore_mem>> -> memref<1x!tpu.dma_semaphore, #tpu.memory_space<semaphore_mem>>
          %dma_wait3A_416 = tpu.memref_squeeze %dma_wait3A_415 : memref<1x!tpu.dma_semaphore, #tpu.memory_space<semaphore_mem>> -> memref<!tpu.dma_semaphore, #tpu.memory_space<semaphore_mem>>
          tpu.wait_indirect_dma semaphore(%dma_wait3A_416 : memref<!tpu.dma_semaphore, #tpu.memory_space<semaphore_mem>>) src(%dma_wait3A_408 : memref<80x128xf32, #tpu.memory_space<vmem>>) dst(%dma_wait3A_414 : memref<10112x128xf32, #tpu.memory_space<vmem_shared>>)
          %mul3A_417 = arith.constant 80 : i32
          %mul3A_418 = arith.muli %add3A_381, %mul3A_417 : i32
          %add3A_419 = arith.addi %mul3A_2, %mul3A_418 : i32
          %dma_start3A_420 = arith.constant 2 : i32
          %dma_start3A_421 = arith.constant 2 : i32
          %dma_start3A_422 = arith.constant 0 : i32
          %dma_start3A_423 = tpu.memref_slice %arg8[%dma_start3A_420, %dma_start3A_422] : memref<4x80xi32, #tpu.memory_space<vmem>> -> memref<1x80xi32, #tpu.memory_space<vmem>>
          %dma_start3A_424 = tpu.memref_squeeze %dma_start3A_423 : memref<1x80xi32, #tpu.memory_space<vmem>> -> memref<80xi32, #tpu.memory_space<vmem>>
          %dma_start3A_425 = tpu.memref_slice %arg3[%add3A_419] : memref<320000xi32, #tpu.memory_space<hbm>> -> memref<80xi32, #tpu.memory_space<hbm>>
          %dma_start3A_426 = tpu.memref_slice %arg12[%dma_start3A_421] : memref<4x!tpu.dma_semaphore, #tpu.memory_space<semaphore_mem>> -> memref<1x!tpu.dma_semaphore, #tpu.memory_space<semaphore_mem>>
          %dma_start3A_427 = tpu.memref_squeeze %dma_start3A_426 : memref<1x!tpu.dma_semaphore, #tpu.memory_space<semaphore_mem>> -> memref<!tpu.dma_semaphore, #tpu.memory_space<semaphore_mem>>
          %dma_start3A_428 = arith.constant 0 : i32
          %dma_start3A_429 = tpu.memref_slice %arg8[%dma_start3A_420, %dma_start3A_428] : memref<4x80xi32, #tpu.memory_space<vmem>> -> memref<1x80xi32, #tpu.memory_space<vmem>>
          %dma_start3A_430 = tpu.memref_squeeze %dma_start3A_429 : memref<1x80xi32, #tpu.memory_space<vmem>> -> memref<80xi32, #tpu.memory_space<vmem>>
          %dma_start3A_431 = tpu.memref_slice %arg3[%add3A_419] : memref<320000xi32, #tpu.memory_space<hbm>> -> memref<80xi32, #tpu.memory_space<hbm>>
          tpu.enqueue_dma source(%dma_start3A_431 : memref<80xi32, #tpu.memory_space<hbm>>) target(%dma_start3A_430 : memref<80xi32, #tpu.memory_space<vmem>>) target_semaphore(%dma_start3A_427 : memref<!tpu.dma_semaphore, #tpu.memory_space<semaphore_mem>>)
          %mul3A_432 = arith.constant 80 : i32
          %mul3A_433 = arith.muli %add3A_381, %mul3A_432 : i32
          %add3A_434 = arith.addi %mul3A_2, %mul3A_433 : i32
          %dma_wait3A_435 = arith.constant 2 : i32
          %dma_wait3A_436 = arith.constant 2 : i32
          %dma_wait3A_437 = arith.constant 0 : i32
          %dma_wait3A_438 = tpu.memref_slice %arg7[%dma_wait3A_435, %dma_wait3A_437] : memref<4x80xi32, #tpu.memory_space<vmem>> -> memref<1x80xi32, #tpu.memory_space<vmem>>
          %dma_wait3A_439 = tpu.memref_squeeze %dma_wait3A_438 : memref<1x80xi32, #tpu.memory_space<vmem>> -> memref<80xi32, #tpu.memory_space<vmem>>
          %dma_wait3A_440 = tpu.memref_slice %arg2[%add3A_434] : memref<320000xi32, #tpu.memory_space<hbm>> -> memref<80xi32, #tpu.memory_space<hbm>>
          %dma_wait3A_441 = tpu.memref_slice %arg11[%dma_wait3A_436] : memref<4x!tpu.dma_semaphore, #tpu.memory_space<semaphore_mem>> -> memref<1x!tpu.dma_semaphore, #tpu.memory_space<semaphore_mem>>
          %dma_wait3A_442 = tpu.memref_squeeze %dma_wait3A_441 : memref<1x!tpu.dma_semaphore, #tpu.memory_space<semaphore_mem>> -> memref<!tpu.dma_semaphore, #tpu.memory_space<semaphore_mem>>
          %dma_wait3A_443 = arith.constant 0 : i32
          %dma_wait3A_444 = tpu.memref_slice %arg7[%dma_wait3A_435, %dma_wait3A_443] : memref<4x80xi32, #tpu.memory_space<vmem>> -> memref<1x80xi32, #tpu.memory_space<vmem>>
          %dma_wait3A_445 = tpu.memref_squeeze %dma_wait3A_444 : memref<1x80xi32, #tpu.memory_space<vmem>> -> memref<80xi32, #tpu.memory_space<vmem>>
          %dma_wait3A_446 = tpu.memref_slice %arg2[%add3A_434] : memref<320000xi32, #tpu.memory_space<hbm>> -> memref<80xi32, #tpu.memory_space<hbm>>
          tpu.wait_dma2 semaphore(%dma_wait3A_442 : memref<!tpu.dma_semaphore, #tpu.memory_space<semaphore_mem>>) src(%dma_wait3A_446 : memref<80xi32, #tpu.memory_space<hbm>>) dst(%dma_wait3A_445 : memref<80xi32, #tpu.memory_space<vmem>>)
          %dma_start3A_447 = arith.constant 2 : i32
          %dma_start3A_448 = arith.constant 2 : i32
          %dma_start3A_449 = arith.constant 2 : i32
          %dma_start3A_450 = arith.constant 0 : i32
          %dma_start3A_451 = arith.constant 0 : i32
          %dma_start3A_452 = tpu.memref_slice %arg9[%dma_start3A_448, %dma_start3A_450, %dma_start3A_451] : memref<4x80x128xf32, #tpu.memory_space<vmem>> -> memref<1x80x128xf32, #tpu.memory_space<vmem>>
          %dma_start3A_453 = tpu.memref_squeeze %dma_start3A_452 : memref<1x80x128xf32, #tpu.memory_space<vmem>> -> memref<80x128xf32, #tpu.memory_space<vmem>>
          %dma_start3A_454 = arith.constant 0 : i32
          %dma_start3A_455 = tpu.memref_slice %arg7[%dma_start3A_447, %dma_start3A_454] : memref<4x80xi32, #tpu.memory_space<vmem>> -> memref<1x80xi32, #tpu.memory_space<vmem>>
          %dma_start3A_456 = tpu.memref_squeeze %dma_start3A_455 : memref<1x80xi32, #tpu.memory_space<vmem>> -> memref<80xi32, #tpu.memory_space<vmem>>
          %dma_start3A_457 = arith.constant 0 : i32
          %dma_start3A_458 = arith.constant 0 : i32
          %dma_start3A_459 = tpu.memref_slice %arg4[%dma_start3A_457, %dma_start3A_458] : memref<10000x128xf32, #tpu.memory_space<hbm>> -> memref<10000x128xf32, #tpu.memory_space<hbm>>
          %dma_start3A_460 = tpu.memref_slice %arg13[%dma_start3A_449] : memref<4x!tpu.dma_semaphore, #tpu.memory_space<semaphore_mem>> -> memref<1x!tpu.dma_semaphore, #tpu.memory_space<semaphore_mem>>
          %dma_start3A_461 = tpu.memref_squeeze %dma_start3A_460 : memref<1x!tpu.dma_semaphore, #tpu.memory_space<semaphore_mem>> -> memref<!tpu.dma_semaphore, #tpu.memory_space<semaphore_mem>>
          tpu.enqueue_indirect_dma source(%dma_start3A_459 : memref<10000x128xf32, #tpu.memory_space<hbm>>) target(%dma_start3A_453 : memref<80x128xf32, #tpu.memory_space<vmem>>) offsets(%dma_start3A_456 : memref<80xi32, #tpu.memory_space<vmem>>) semaphore(%dma_start3A_461 : memref<!tpu.dma_semaphore, #tpu.memory_space<semaphore_mem>>)
        } else {
        }
      } else {
      }
      %mul3A_326 = arith.constant 4 : i32
      %mul3A_327 = arith.muli %scan3A_301, %mul3A_326 : i32
      %add3A_328 = arith.constant 3 : i32
      %add3A_329 = arith.addi %mul3A_327, %add3A_328 : i32
      %lt3A_330 = arith.constant 125 : i32
      %lt3A_331 = arith.cmpi slt, %add3A_329, %lt3A_330 : i32
      %convert_element_type3A_332 = arith.extui %lt3A_331 : i1 to i32
      %cond3A_333 = arith.constant 0 : i32
      %cond3A_334 = arith.cmpi ne, %convert_element_type3A_332, %cond3A_333 : i32
      scf.if %cond3A_334 {
        %dma_wait3A_335 = arith.constant 3 : i32
        %dma_wait3A_336 = arith.constant 3 : i32
        %dma_wait3A_337 = arith.constant 3 : i32
        %dma_wait3A_338 = arith.constant 0 : i32
        %dma_wait3A_339 = arith.constant 0 : i32
        %dma_wait3A_340 = tpu.memref_slice %arg9[%dma_wait3A_336, %dma_wait3A_338, %dma_wait3A_339] : memref<4x80x128xf32, #tpu.memory_space<vmem>> -> memref<1x80x128xf32, #tpu.memory_space<vmem>>
        %dma_wait3A_341 = tpu.memref_squeeze %dma_wait3A_340 : memref<1x80x128xf32, #tpu.memory_space<vmem>> -> memref<80x128xf32, #tpu.memory_space<vmem>>
        %dma_wait3A_342 = arith.constant 0 : i32
        %dma_wait3A_343 = tpu.memref_slice %arg7[%dma_wait3A_335, %dma_wait3A_342] : memref<4x80xi32, #tpu.memory_space<vmem>> -> memref<1x80xi32, #tpu.memory_space<vmem>>
        %dma_wait3A_344 = tpu.memref_squeeze %dma_wait3A_343 : memref<1x80xi32, #tpu.memory_space<vmem>> -> memref<80xi32, #tpu.memory_space<vmem>>
        %dma_wait3A_345 = arith.constant 0 : i32
        %dma_wait3A_346 = arith.constant 0 : i32
        %dma_wait3A_347 = tpu.memref_slice %arg4[%dma_wait3A_345, %dma_wait3A_346] : memref<10000x128xf32, #tpu.memory_space<hbm>> -> memref<10000x128xf32, #tpu.memory_space<hbm>>
        %dma_wait3A_348 = tpu.memref_slice %arg13[%dma_wait3A_337] : memref<4x!tpu.dma_semaphore, #tpu.memory_space<semaphore_mem>> -> memref<1x!tpu.dma_semaphore, #tpu.memory_space<semaphore_mem>>
        %dma_wait3A_349 = tpu.memref_squeeze %dma_wait3A_348 : memref<1x!tpu.dma_semaphore, #tpu.memory_space<semaphore_mem>> -> memref<!tpu.dma_semaphore, #tpu.memory_space<semaphore_mem>>
        tpu.wait_indirect_dma semaphore(%dma_wait3A_349 : memref<!tpu.dma_semaphore, #tpu.memory_space<semaphore_mem>>) src(%dma_wait3A_347 : memref<10000x128xf32, #tpu.memory_space<hbm>>) dst(%dma_wait3A_341 : memref<80x128xf32, #tpu.memory_space<vmem>>)
        %mul3A_350 = arith.constant 80 : i32
        %mul3A_351 = arith.muli %add3A_329, %mul3A_350 : i32
        %add3A_352 = arith.addi %mul3A_2, %mul3A_351 : i32
        %dma_wait3A_353 = arith.constant 3 : i32
        %dma_wait3A_354 = arith.constant 3 : i32
        %dma_wait3A_355 = arith.constant 0 : i32
        %dma_wait3A_356 = tpu.memref_slice %arg8[%dma_wait3A_353, %dma_wait3A_355] : memref<4x80xi32, #tpu.memory_space<vmem>> -> memref<1x80xi32, #tpu.memory_space<vmem>>
        %dma_wait3A_357 = tpu.memref_squeeze %dma_wait3A_356 : memref<1x80xi32, #tpu.memory_space<vmem>> -> memref<80xi32, #tpu.memory_space<vmem>>
        %dma_wait3A_358 = tpu.memref_slice %arg3[%add3A_352] : memref<320000xi32, #tpu.memory_space<hbm>> -> memref<80xi32, #tpu.memory_space<hbm>>
        %dma_wait3A_359 = tpu.memref_slice %arg12[%dma_wait3A_354] : memref<4x!tpu.dma_semaphore, #tpu.memory_space<semaphore_mem>> -> memref<1x!tpu.dma_semaphore, #tpu.memory_space<semaphore_mem>>
        %dma_wait3A_360 = tpu.memref_squeeze %dma_wait3A_359 : memref<1x!tpu.dma_semaphore, #tpu.memory_space<semaphore_mem>> -> memref<!tpu.dma_semaphore, #tpu.memory_space<semaphore_mem>>
        %dma_wait3A_361 = arith.constant 0 : i32
        %dma_wait3A_362 = tpu.memref_slice %arg8[%dma_wait3A_353, %dma_wait3A_361] : memref<4x80xi32, #tpu.memory_space<vmem>> -> memref<1x80xi32, #tpu.memory_space<vmem>>
        %dma_wait3A_363 = tpu.memref_squeeze %dma_wait3A_362 : memref<1x80xi32, #tpu.memory_space<vmem>> -> memref<80xi32, #tpu.memory_space<vmem>>
        %dma_wait3A_364 = tpu.memref_slice %arg3[%add3A_352] : memref<320000xi32, #tpu.memory_space<hbm>> -> memref<80xi32, #tpu.memory_space<hbm>>
        tpu.wait_dma2 semaphore(%dma_wait3A_360 : memref<!tpu.dma_semaphore, #tpu.memory_space<semaphore_mem>>) src(%dma_wait3A_364 : memref<80xi32, #tpu.memory_space<hbm>>) dst(%dma_wait3A_363 : memref<80xi32, #tpu.memory_space<vmem>>)
        %dma_start3A_365 = arith.constant 3 : i32
        %dma_start3A_366 = arith.constant 3 : i32
        %dma_start3A_367 = arith.constant 3 : i32
        %dma_start3A_368 = arith.constant 0 : i32
        %dma_start3A_369 = arith.constant 0 : i32
        %dma_start3A_370 = tpu.memref_slice %arg9[%dma_start3A_365, %dma_start3A_368, %dma_start3A_369] : memref<4x80x128xf32, #tpu.memory_space<vmem>> -> memref<1x80x128xf32, #tpu.memory_space<vmem>>
        %dma_start3A_371 = tpu.memref_squeeze %dma_start3A_370 : memref<1x80x128xf32, #tpu.memory_space<vmem>> -> memref<80x128xf32, #tpu.memory_space<vmem>>
        %dma_start3A_372 = arith.constant 0 : i32
        %dma_start3A_373 = tpu.memref_slice %arg8[%dma_start3A_366, %dma_start3A_372] : memref<4x80xi32, #tpu.memory_space<vmem>> -> memref<1x80xi32, #tpu.memory_space<vmem>>
        %dma_start3A_374 = tpu.memref_squeeze %dma_start3A_373 : memref<1x80xi32, #tpu.memory_space<vmem>> -> memref<80xi32, #tpu.memory_space<vmem>>
        %dma_start3A_375 = arith.constant 0 : i32
        %dma_start3A_376 = arith.constant 0 : i32
        %dma_start3A_377 = tpu.memref_slice %arg10[%dma_start3A_375, %dma_start3A_376] : memref<10112x128xf32, #tpu.memory_space<vmem_shared>> -> memref<10112x128xf32, #tpu.memory_space<vmem_shared>>
        %dma_start3A_378 = tpu.memref_slice %arg14[%dma_start3A_367] : memref<4x!tpu.dma_semaphore, #tpu.memory_space<semaphore_mem>> -> memref<1x!tpu.dma_semaphore, #tpu.memory_space<semaphore_mem>>
        %dma_start3A_379 = tpu.memref_squeeze %dma_start3A_378 : memref<1x!tpu.dma_semaphore, #tpu.memory_space<semaphore_mem>> -> memref<!tpu.dma_semaphore, #tpu.memory_space<semaphore_mem>>
        tpu.enqueue_indirect_dma source(%dma_start3A_371 : memref<80x128xf32, #tpu.memory_space<vmem>>) target(%dma_start3A_377 : memref<10112x128xf32, #tpu.memory_space<vmem_shared>>) offsets(%dma_start3A_374 : memref<80xi32, #tpu.memory_space<vmem>>) semaphore(%dma_start3A_379 : memref<!tpu.dma_semaphore, #tpu.memory_space<semaphore_mem>>) {add = true}
        %add3A_380 = arith.constant 4 : i32
        %add3A_381 = arith.addi %add3A_329, %add3A_380 : i32
        %lt3A_382 = arith.constant 125 : i32
        %lt3A_383 = arith.cmpi slt, %add3A_381, %lt3A_382 : i32
        %convert_element_type3A_384 = arith.extui %lt3A_383 : i1 to i32
        %cond3A_385 = arith.constant 0 : i32
        %cond3A_386 = arith.cmpi ne, %convert_element_type3A_384, %cond3A_385 : i32
        scf.if %cond3A_386 {
          %mul3A_387 = arith.constant 80 : i32
          %mul3A_388 = arith.muli %add3A_381, %mul3A_387 : i32
          %add3A_389 = arith.addi %mul3A_2, %mul3A_388 : i32
          %dma_start3A_390 = arith.constant 3 : i32
          %dma_start3A_391 = arith.constant 3 : i32
          %dma_start3A_392 = arith.constant 0 : i32
          %dma_start3A_393 = tpu.memref_slice %arg7[%dma_start3A_390, %dma_start3A_392] : memref<4x80xi32, #tpu.memory_space<vmem>> -> memref<1x80xi32, #tpu.memory_space<vmem>>
          %dma_start3A_394 = tpu.memref_squeeze %dma_start3A_393 : memref<1x80xi32, #tpu.memory_space<vmem>> -> memref<80xi32, #tpu.memory_space<vmem>>
          %dma_start3A_395 = tpu.memref_slice %arg2[%add3A_389] : memref<320000xi32, #tpu.memory_space<hbm>> -> memref<80xi32, #tpu.memory_space<hbm>>
          %dma_start3A_396 = tpu.memref_slice %arg11[%dma_start3A_391] : memref<4x!tpu.dma_semaphore, #tpu.memory_space<semaphore_mem>> -> memref<1x!tpu.dma_semaphore, #tpu.memory_space<semaphore_mem>>
          %dma_start3A_397 = tpu.memref_squeeze %dma_start3A_396 : memref<1x!tpu.dma_semaphore, #tpu.memory_space<semaphore_mem>> -> memref<!tpu.dma_semaphore, #tpu.memory_space<semaphore_mem>>
          %dma_start3A_398 = arith.constant 0 : i32
          %dma_start3A_399 = tpu.memref_slice %arg7[%dma_start3A_390, %dma_start3A_398] : memref<4x80xi32, #tpu.memory_space<vmem>> -> memref<1x80xi32, #tpu.memory_space<vmem>>
          %dma_start3A_400 = tpu.memref_squeeze %dma_start3A_399 : memref<1x80xi32, #tpu.memory_space<vmem>> -> memref<80xi32, #tpu.memory_space<vmem>>
          %dma_start3A_401 = tpu.memref_slice %arg2[%add3A_389] : memref<320000xi32, #tpu.memory_space<hbm>> -> memref<80xi32, #tpu.memory_space<hbm>>
          tpu.enqueue_dma source(%dma_start3A_401 : memref<80xi32, #tpu.memory_space<hbm>>) target(%dma_start3A_400 : memref<80xi32, #tpu.memory_space<vmem>>) target_semaphore(%dma_start3A_397 : memref<!tpu.dma_semaphore, #tpu.memory_space<semaphore_mem>>)
          %dma_wait3A_402 = arith.constant 3 : i32
          %dma_wait3A_403 = arith.constant 3 : i32
          %dma_wait3A_404 = arith.constant 3 : i32
          %dma_wait3A_405 = arith.constant 0 : i32
          %dma_wait3A_406 = arith.constant 0 : i32
          %dma_wait3A_407 = tpu.memref_slice %arg9[%dma_wait3A_402, %dma_wait3A_405, %dma_wait3A_406] : memref<4x80x128xf32, #tpu.memory_space<vmem>> -> memref<1x80x128xf32, #tpu.memory_space<vmem>>
          %dma_wait3A_408 = tpu.memref_squeeze %dma_wait3A_407 : memref<1x80x128xf32, #tpu.memory_space<vmem>> -> memref<80x128xf32, #tpu.memory_space<vmem>>
          %dma_wait3A_409 = arith.constant 0 : i32
          %dma_wait3A_410 = tpu.memref_slice %arg8[%dma_wait3A_403, %dma_wait3A_409] : memref<4x80xi32, #tpu.memory_space<vmem>> -> memref<1x80xi32, #tpu.memory_space<vmem>>
          %dma_wait3A_411 = tpu.memref_squeeze %dma_wait3A_410 : memref<1x80xi32, #tpu.memory_space<vmem>> -> memref<80xi32, #tpu.memory_space<vmem>>
          %dma_wait3A_412 = arith.constant 0 : i32
          %dma_wait3A_413 = arith.constant 0 : i32
          %dma_wait3A_414 = tpu.memref_slice %arg10[%dma_wait3A_412, %dma_wait3A_413] : memref<10112x128xf32, #tpu.memory_space<vmem_shared>> -> memref<10112x128xf32, #tpu.memory_space<vmem_shared>>
          %dma_wait3A_415 = tpu.memref_slice %arg14[%dma_wait3A_404] : memref<4x!tpu.dma_semaphore, #tpu.memory_space<semaphore_mem>> -> memref<1x!tpu.dma_semaphore, #tpu.memory_space<semaphore_mem>>
          %dma_wait3A_416 = tpu.memref_squeeze %dma_wait3A_415 : memref<1x!tpu.dma_semaphore, #tpu.memory_space<semaphore_mem>> -> memref<!tpu.dma_semaphore, #tpu.memory_space<semaphore_mem>>
          tpu.wait_indirect_dma semaphore(%dma_wait3A_416 : memref<!tpu.dma_semaphore, #tpu.memory_space<semaphore_mem>>) src(%dma_wait3A_408 : memref<80x128xf32, #tpu.memory_space<vmem>>) dst(%dma_wait3A_414 : memref<10112x128xf32, #tpu.memory_space<vmem_shared>>)
          %mul3A_417 = arith.constant 80 : i32
          %mul3A_418 = arith.muli %add3A_381, %mul3A_417 : i32
          %add3A_419 = arith.addi %mul3A_2, %mul3A_418 : i32
          %dma_start3A_420 = arith.constant 3 : i32
          %dma_start3A_421 = arith.constant 3 : i32
          %dma_start3A_422 = arith.constant 0 : i32
          %dma_start3A_423 = tpu.memref_slice %arg8[%dma_start3A_420, %dma_start3A_422] : memref<4x80xi32, #tpu.memory_space<vmem>> -> memref<1x80xi32, #tpu.memory_space<vmem>>
          %dma_start3A_424 = tpu.memref_squeeze %dma_start3A_423 : memref<1x80xi32, #tpu.memory_space<vmem>> -> memref<80xi32, #tpu.memory_space<vmem>>
          %dma_start3A_425 = tpu.memref_slice %arg3[%add3A_419] : memref<320000xi32, #tpu.memory_space<hbm>> -> memref<80xi32, #tpu.memory_space<hbm>>
          %dma_start3A_426 = tpu.memref_slice %arg12[%dma_start3A_421] : memref<4x!tpu.dma_semaphore, #tpu.memory_space<semaphore_mem>> -> memref<1x!tpu.dma_semaphore, #tpu.memory_space<semaphore_mem>>
          %dma_start3A_427 = tpu.memref_squeeze %dma_start3A_426 : memref<1x!tpu.dma_semaphore, #tpu.memory_space<semaphore_mem>> -> memref<!tpu.dma_semaphore, #tpu.memory_space<semaphore_mem>>
          %dma_start3A_428 = arith.constant 0 : i32
          %dma_start3A_429 = tpu.memref_slice %arg8[%dma_start3A_420, %dma_start3A_428] : memref<4x80xi32, #tpu.memory_space<vmem>> -> memref<1x80xi32, #tpu.memory_space<vmem>>
          %dma_start3A_430 = tpu.memref_squeeze %dma_start3A_429 : memref<1x80xi32, #tpu.memory_space<vmem>> -> memref<80xi32, #tpu.memory_space<vmem>>
          %dma_start3A_431 = tpu.memref_slice %arg3[%add3A_419] : memref<320000xi32, #tpu.memory_space<hbm>> -> memref<80xi32, #tpu.memory_space<hbm>>
          tpu.enqueue_dma source(%dma_start3A_431 : memref<80xi32, #tpu.memory_space<hbm>>) target(%dma_start3A_430 : memref<80xi32, #tpu.memory_space<vmem>>) target_semaphore(%dma_start3A_427 : memref<!tpu.dma_semaphore, #tpu.memory_space<semaphore_mem>>)
          %mul3A_432 = arith.constant 80 : i32
          %mul3A_433 = arith.muli %add3A_381, %mul3A_432 : i32
          %add3A_434 = arith.addi %mul3A_2, %mul3A_433 : i32
          %dma_wait3A_435 = arith.constant 3 : i32
          %dma_wait3A_436 = arith.constant 3 : i32
          %dma_wait3A_437 = arith.constant 0 : i32
          %dma_wait3A_438 = tpu.memref_slice %arg7[%dma_wait3A_435, %dma_wait3A_437] : memref<4x80xi32, #tpu.memory_space<vmem>> -> memref<1x80xi32, #tpu.memory_space<vmem>>
          %dma_wait3A_439 = tpu.memref_squeeze %dma_wait3A_438 : memref<1x80xi32, #tpu.memory_space<vmem>> -> memref<80xi32, #tpu.memory_space<vmem>>
          %dma_wait3A_440 = tpu.memref_slice %arg2[%add3A_434] : memref<320000xi32, #tpu.memory_space<hbm>> -> memref<80xi32, #tpu.memory_space<hbm>>
          %dma_wait3A_441 = tpu.memref_slice %arg11[%dma_wait3A_436] : memref<4x!tpu.dma_semaphore, #tpu.memory_space<semaphore_mem>> -> memref<1x!tpu.dma_semaphore, #tpu.memory_space<semaphore_mem>>
          %dma_wait3A_442 = tpu.memref_squeeze %dma_wait3A_441 : memref<1x!tpu.dma_semaphore, #tpu.memory_space<semaphore_mem>> -> memref<!tpu.dma_semaphore, #tpu.memory_space<semaphore_mem>>
          %dma_wait3A_443 = arith.constant 0 : i32
          %dma_wait3A_444 = tpu.memref_slice %arg7[%dma_wait3A_435, %dma_wait3A_443] : memref<4x80xi32, #tpu.memory_space<vmem>> -> memref<1x80xi32, #tpu.memory_space<vmem>>
          %dma_wait3A_445 = tpu.memref_squeeze %dma_wait3A_444 : memref<1x80xi32, #tpu.memory_space<vmem>> -> memref<80xi32, #tpu.memory_space<vmem>>
          %dma_wait3A_446 = tpu.memref_slice %arg2[%add3A_434] : memref<320000xi32, #tpu.memory_space<hbm>> -> memref<80xi32, #tpu.memory_space<hbm>>
          tpu.wait_dma2 semaphore(%dma_wait3A_442 : memref<!tpu.dma_semaphore, #tpu.memory_space<semaphore_mem>>) src(%dma_wait3A_446 : memref<80xi32, #tpu.memory_space<hbm>>) dst(%dma_wait3A_445 : memref<80xi32, #tpu.memory_space<vmem>>)
          %dma_start3A_447 = arith.constant 3 : i32
          %dma_start3A_448 = arith.constant 3 : i32
          %dma_start3A_449 = arith.constant 3 : i32
          %dma_start3A_450 = arith.constant 0 : i32
          %dma_start3A_451 = arith.constant 0 : i32
          %dma_start3A_452 = tpu.memref_slice %arg9[%dma_start3A_448, %dma_start3A_450, %dma_start3A_451] : memref<4x80x128xf32, #tpu.memory_space<vmem>> -> memref<1x80x128xf32, #tpu.memory_space<vmem>>
          %dma_start3A_453 = tpu.memref_squeeze %dma_start3A_452 : memref<1x80x128xf32, #tpu.memory_space<vmem>> -> memref<80x128xf32, #tpu.memory_space<vmem>>
          %dma_start3A_454 = arith.constant 0 : i32
          %dma_start3A_455 = tpu.memref_slice %arg7[%dma_start3A_447, %dma_start3A_454] : memref<4x80xi32, #tpu.memory_space<vmem>> -> memref<1x80xi32, #tpu.memory_space<vmem>>
          %dma_start3A_456 = tpu.memref_squeeze %dma_start3A_455 : memref<1x80xi32, #tpu.memory_space<vmem>> -> memref<80xi32, #tpu.memory_space<vmem>>
          %dma_start3A_457 = arith.constant 0 : i32
          %dma_start3A_458 = arith.constant 0 : i32
          %dma_start3A_459 = tpu.memref_slice %arg4[%dma_start3A_457, %dma_start3A_458] : memref<10000x128xf32, #tpu.memory_space<hbm>> -> memref<10000x128xf32, #tpu.memory_space<hbm>>
          %dma_start3A_460 = tpu.memref_slice %arg13[%dma_start3A_449] : memref<4x!tpu.dma_semaphore, #tpu.memory_space<semaphore_mem>> -> memref<1x!tpu.dma_semaphore, #tpu.memory_space<semaphore_mem>>
          %dma_start3A_461 = tpu.memref_squeeze %dma_start3A_460 : memref<1x!tpu.dma_semaphore, #tpu.memory_space<semaphore_mem>> -> memref<!tpu.dma_semaphore, #tpu.memory_space<semaphore_mem>>
          tpu.enqueue_indirect_dma source(%dma_start3A_459 : memref<10000x128xf32, #tpu.memory_space<hbm>>) target(%dma_start3A_453 : memref<80x128xf32, #tpu.memory_space<vmem>>) offsets(%dma_start3A_456 : memref<80xi32, #tpu.memory_space<vmem>>) semaphore(%dma_start3A_461 : memref<!tpu.dma_semaphore, #tpu.memory_space<semaphore_mem>>)
        } else {
        }
      } else {
      }
    }
    %scan3A_235 = arith.constant 32 : i32
    %dma_wait3A_236 = arith.constant 0 : i32
    %dma_wait3A_237 = arith.constant 0 : i32
    %dma_wait3A_238 = arith.constant 0 : i32
    %dma_wait3A_239 = arith.constant 0 : i32
    %dma_wait3A_240 = arith.constant 0 : i32
    %dma_wait3A_241 = tpu.memref_slice %arg9[%dma_wait3A_236, %dma_wait3A_239, %dma_wait3A_240] : memref<4x80x128xf32, #tpu.memory_space<vmem>> -> memref<1x80x128xf32, #tpu.memory_space<vmem>>
    %dma_wait3A_242 = tpu.memref_squeeze %dma_wait3A_241 : memref<1x80x128xf32, #tpu.memory_space<vmem>> -> memref<80x128xf32, #tpu.memory_space<vmem>>
    %dma_wait3A_243 = arith.constant 0 : i32
    %dma_wait3A_244 = tpu.memref_slice %arg8[%dma_wait3A_237, %dma_wait3A_243] : memref<4x80xi32, #tpu.memory_space<vmem>> -> memref<1x80xi32, #tpu.memory_space<vmem>>
    %dma_wait3A_245 = tpu.memref_squeeze %dma_wait3A_244 : memref<1x80xi32, #tpu.memory_space<vmem>> -> memref<80xi32, #tpu.memory_space<vmem>>
    %dma_wait3A_246 = arith.constant 0 : i32
    %dma_wait3A_247 = arith.constant 0 : i32
    %dma_wait3A_248 = tpu.memref_slice %arg10[%dma_wait3A_246, %dma_wait3A_247] : memref<10112x128xf32, #tpu.memory_space<vmem_shared>> -> memref<10112x128xf32, #tpu.memory_space<vmem_shared>>
    %dma_wait3A_249 = tpu.memref_slice %arg14[%dma_wait3A_238] : memref<4x!tpu.dma_semaphore, #tpu.memory_space<semaphore_mem>> -> memref<1x!tpu.dma_semaphore, #tpu.memory_space<semaphore_mem>>
    %dma_wait3A_250 = tpu.memref_squeeze %dma_wait3A_249 : memref<1x!tpu.dma_semaphore, #tpu.memory_space<semaphore_mem>> -> memref<!tpu.dma_semaphore, #tpu.memory_space<semaphore_mem>>
    tpu.wait_indirect_dma semaphore(%dma_wait3A_250 : memref<!tpu.dma_semaphore, #tpu.memory_space<semaphore_mem>>) src(%dma_wait3A_242 : memref<80x128xf32, #tpu.memory_space<vmem>>) dst(%dma_wait3A_248 : memref<10112x128xf32, #tpu.memory_space<vmem_shared>>)
    %dma_wait3A_251 = arith.constant 1 : i32
    %dma_wait3A_252 = arith.constant 1 : i32
    %dma_wait3A_253 = arith.constant 1 : i32
    %dma_wait3A_254 = arith.constant 0 : i32
    %dma_wait3A_255 = arith.constant 0 : i32
    %dma_wait3A_256 = tpu.memref_slice %arg9[%dma_wait3A_251, %dma_wait3A_254, %dma_wait3A_255] : memref<4x80x128xf32, #tpu.memory_space<vmem>> -> memref<1x80x128xf32, #tpu.memory_space<vmem>>
    %dma_wait3A_257 = tpu.memref_squeeze %dma_wait3A_256 : memref<1x80x128xf32, #tpu.memory_space<vmem>> -> memref<80x128xf32, #tpu.memory_space<vmem>>
    %dma_wait3A_258 = arith.constant 0 : i32
    %dma_wait3A_259 = tpu.memref_slice %arg8[%dma_wait3A_252, %dma_wait3A_258] : memref<4x80xi32, #tpu.memory_space<vmem>> -> memref<1x80xi32, #tpu.memory_space<vmem>>
    %dma_wait3A_260 = tpu.memref_squeeze %dma_wait3A_259 : memref<1x80xi32, #tpu.memory_space<vmem>> -> memref<80xi32, #tpu.memory_space<vmem>>
    %dma_wait3A_261 = arith.constant 0 : i32
    %dma_wait3A_262 = arith.constant 0 : i32
    %dma_wait3A_263 = tpu.memref_slice %arg10[%dma_wait3A_261, %dma_wait3A_262] : memref<10112x128xf32, #tpu.memory_space<vmem_shared>> -> memref<10112x128xf32, #tpu.memory_space<vmem_shared>>
    %dma_wait3A_264 = tpu.memref_slice %arg14[%dma_wait3A_253] : memref<4x!tpu.dma_semaphore, #tpu.memory_space<semaphore_mem>> -> memref<1x!tpu.dma_semaphore, #tpu.memory_space<semaphore_mem>>
    %dma_wait3A_265 = tpu.memref_squeeze %dma_wait3A_264 : memref<1x!tpu.dma_semaphore, #tpu.memory_space<semaphore_mem>> -> memref<!tpu.dma_semaphore, #tpu.memory_space<semaphore_mem>>
    tpu.wait_indirect_dma semaphore(%dma_wait3A_265 : memref<!tpu.dma_semaphore, #tpu.memory_space<semaphore_mem>>) src(%dma_wait3A_257 : memref<80x128xf32, #tpu.memory_space<vmem>>) dst(%dma_wait3A_263 : memref<10112x128xf32, #tpu.memory_space<vmem_shared>>)
    %dma_wait3A_266 = arith.constant 2 : i32
    %dma_wait3A_267 = arith.constant 2 : i32
    %dma_wait3A_268 = arith.constant 2 : i32
    %dma_wait3A_269 = arith.constant 0 : i32
    %dma_wait3A_270 = arith.constant 0 : i32
    %dma_wait3A_271 = tpu.memref_slice %arg9[%dma_wait3A_266, %dma_wait3A_269, %dma_wait3A_270] : memref<4x80x128xf32, #tpu.memory_space<vmem>> -> memref<1x80x128xf32, #tpu.memory_space<vmem>>
    %dma_wait3A_272 = tpu.memref_squeeze %dma_wait3A_271 : memref<1x80x128xf32, #tpu.memory_space<vmem>> -> memref<80x128xf32, #tpu.memory_space<vmem>>
    %dma_wait3A_273 = arith.constant 0 : i32
    %dma_wait3A_274 = tpu.memref_slice %arg8[%dma_wait3A_267, %dma_wait3A_273] : memref<4x80xi32, #tpu.memory_space<vmem>> -> memref<1x80xi32, #tpu.memory_space<vmem>>
    %dma_wait3A_275 = tpu.memref_squeeze %dma_wait3A_274 : memref<1x80xi32, #tpu.memory_space<vmem>> -> memref<80xi32, #tpu.memory_space<vmem>>
    %dma_wait3A_276 = arith.constant 0 : i32
    %dma_wait3A_277 = arith.constant 0 : i32
    %dma_wait3A_278 = tpu.memref_slice %arg10[%dma_wait3A_276, %dma_wait3A_277] : memref<10112x128xf32, #tpu.memory_space<vmem_shared>> -> memref<10112x128xf32, #tpu.memory_space<vmem_shared>>
    %dma_wait3A_279 = tpu.memref_slice %arg14[%dma_wait3A_268] : memref<4x!tpu.dma_semaphore, #tpu.memory_space<semaphore_mem>> -> memref<1x!tpu.dma_semaphore, #tpu.memory_space<semaphore_mem>>
    %dma_wait3A_280 = tpu.memref_squeeze %dma_wait3A_279 : memref<1x!tpu.dma_semaphore, #tpu.memory_space<semaphore_mem>> -> memref<!tpu.dma_semaphore, #tpu.memory_space<semaphore_mem>>
    tpu.wait_indirect_dma semaphore(%dma_wait3A_280 : memref<!tpu.dma_semaphore, #tpu.memory_space<semaphore_mem>>) src(%dma_wait3A_272 : memref<80x128xf32, #tpu.memory_space<vmem>>) dst(%dma_wait3A_278 : memref<10112x128xf32, #tpu.memory_space<vmem_shared>>)
    %dma_wait3A_281 = arith.constant 3 : i32
    %dma_wait3A_282 = arith.constant 3 : i32
    %dma_wait3A_283 = arith.constant 3 : i32
    %dma_wait3A_284 = arith.constant 0 : i32
    %dma_wait3A_285 = arith.constant 0 : i32
    %dma_wait3A_286 = tpu.memref_slice %arg9[%dma_wait3A_281, %dma_wait3A_284, %dma_wait3A_285] : memref<4x80x128xf32, #tpu.memory_space<vmem>> -> memref<1x80x128xf32, #tpu.memory_space<vmem>>
    %dma_wait3A_287 = tpu.memref_squeeze %dma_wait3A_286 : memref<1x80x128xf32, #tpu.memory_space<vmem>> -> memref<80x128xf32, #tpu.memory_space<vmem>>
    %dma_wait3A_288 = arith.constant 0 : i32
    %dma_wait3A_289 = tpu.memref_slice %arg8[%dma_wait3A_282, %dma_wait3A_288] : memref<4x80xi32, #tpu.memory_space<vmem>> -> memref<1x80xi32, #tpu.memory_space<vmem>>
    %dma_wait3A_290 = tpu.memref_squeeze %dma_wait3A_289 : memref<1x80xi32, #tpu.memory_space<vmem>> -> memref<80xi32, #tpu.memory_space<vmem>>
    %dma_wait3A_291 = arith.constant 0 : i32
    %dma_wait3A_292 = arith.constant 0 : i32
    %dma_wait3A_293 = tpu.memref_slice %arg10[%dma_wait3A_291, %dma_wait3A_292] : memref<10112x128xf32, #tpu.memory_space<vmem_shared>> -> memref<10112x128xf32, #tpu.memory_space<vmem_shared>>
    %dma_wait3A_294 = tpu.memref_slice %arg14[%dma_wait3A_283] : memref<4x!tpu.dma_semaphore, #tpu.memory_space<semaphore_mem>> -> memref<1x!tpu.dma_semaphore, #tpu.memory_space<semaphore_mem>>
    %dma_wait3A_295 = tpu.memref_squeeze %dma_wait3A_294 : memref<1x!tpu.dma_semaphore, #tpu.memory_space<semaphore_mem>> -> memref<!tpu.dma_semaphore, #tpu.memory_space<semaphore_mem>>
    tpu.wait_indirect_dma semaphore(%dma_wait3A_295 : memref<!tpu.dma_semaphore, #tpu.memory_space<semaphore_mem>>) src(%dma_wait3A_287 : memref<80x128xf32, #tpu.memory_space<vmem>>) dst(%dma_wait3A_293 : memref<10112x128xf32, #tpu.memory_space<vmem_shared>>)
    %barrier3A_296 = arith.constant 0 : index
    tpu.barrier barrier_id(%barrier3A_296)
    %mul3A_297 = arith.constant 632 : i32
    %mul3A_298 = arith.muli %arg1, %mul3A_297 : i32
    %mul3A_299 = arith.constant 632 : i32
    %mul3A_300 = arith.muli %arg1, %mul3A_299 : i32
    "tpu.region"() ({
      %run_scoped3A = tpu.sem_alloc : memref<!tpu.dma_semaphore, #tpu.memory_space<semaphore_mem>>
      %dma_start3A_301 = arith.constant 0 : i32
      %dma_start3A_302 = tpu.memref_slice %arg6[%arg0, %mul3A_300, %dma_start3A_301] : memref<2x10112x128xf32, #tpu.memory_space<hbm>> -> memref<1x632x128xf32, #tpu.memory_space<hbm>>
      %dma_start3A_303 = tpu.memref_squeeze %dma_start3A_302 : memref<1x632x128xf32, #tpu.memory_space<hbm>> -> memref<632x128xf32, #tpu.memory_space<hbm>>
      %dma_start3A_304 = arith.constant 0 : i32
      %dma_start3A_305 = tpu.memref_slice %arg10[%mul3A_298, %dma_start3A_304] : memref<10112x128xf32, #tpu.memory_space<vmem_shared>> -> memref<632x128xf32, #tpu.memory_space<vmem_shared>>
      tpu.enqueue_dma source(%dma_start3A_305 : memref<632x128xf32, #tpu.memory_space<vmem_shared>>) target(%dma_start3A_303 : memref<632x128xf32, #tpu.memory_space<hbm>>) target_semaphore(%run_scoped3A : memref<!tpu.dma_semaphore, #tpu.memory_space<semaphore_mem>>)
      %dma_wait3A_306 = arith.constant 0 : i32
      %dma_wait3A_307 = tpu.memref_slice %arg6[%arg0, %mul3A_300, %dma_wait3A_306] : memref<2x10112x128xf32, #tpu.memory_space<hbm>> -> memref<1x632x128xf32, #tpu.memory_space<hbm>>
      %dma_wait3A_308 = tpu.memref_squeeze %dma_wait3A_307 : memref<1x632x128xf32, #tpu.memory_space<hbm>> -> memref<632x128xf32, #tpu.memory_space<hbm>>
      %dma_wait3A_309 = arith.constant 0 : i32
      %dma_wait3A_310 = tpu.memref_slice %arg10[%mul3A_298, %dma_wait3A_309] : memref<10112x128xf32, #tpu.memory_space<vmem_shared>> -> memref<632x128xf32, #tpu.memory_space<vmem_shared>>
      tpu.wait_dma2 semaphore(%run_scoped3A : memref<!tpu.dma_semaphore, #tpu.memory_space<semaphore_mem>>) src(%dma_wait3A_310 : memref<632x128xf32, #tpu.memory_space<vmem_shared>>) dst(%dma_wait3A_308 : memref<632x128xf32, #tpu.memory_space<hbm>>)
      tpu.yield
    }) : () -> ()
    return
  }
}

module attributes {stable_mosaic.version = 14 : i64} {
  func.func @_prep_body(%arg0: memref<32x10000xf32, #tpu.memory_space<vmem>>, %arg1: memref<10000x128xf32, #tpu.memory_space<vmem>>, %arg2: memref<10000x1xf32, #tpu.memory_space<vmem>>, %arg3: memref<10000x128xf32, #tpu.memory_space<vmem>>) attributes {dimension_semantics = [], scalar_prefetch = 0 : i64, scratch_operands = 0 : i64, tpu.core_type = #tpu.core_type<tc>} {
    %get3A = arith.constant 0 : index
    %get3A_0 = arith.constant 0 : index
    %get3A_1 = vector.load %arg0[%get3A, %get3A_0] : memref<32x10000xf32, #tpu.memory_space<vmem>>, vector<32x10000xf32>
    %broadcast_in_dim3A = arith.constant 1.000000e+00 : f32
    %broadcast_in_dim3A_2 = vector.broadcast %broadcast_in_dim3A : f32 to vector<32x1xf32>
    %dot_general3A = arith.constant dense<0.000000e+00> : vector<10000x1xf32>
    %dot_general3A_3 = tpu.matmul %get3A_1, %broadcast_in_dim3A_2, %dot_general3A {dimension_numbers = #tpu.dot_dimension_numbers<[0], [0], [1], [1], [0, 1, 1, 1], [], []>, transpose_lhs_hint = false} : vector<32x10000xf32>, vector<32x1xf32>, vector<10000x1xf32> -> vector<10000x1xf32>
    %add3A = arith.constant 1.000000e+00 : f32
    %add3A_4 = vector.broadcast %add3A : f32 to vector<10000x1xf32>
    %add3A_5 = arith.addf %dot_general3A_3, %add3A_4 : vector<10000x1xf32>
    %rsqrt3A = math.rsqrt %add3A_5 : vector<10000x1xf32>
    %swap3A = arith.constant 0 : index
    %swap3A_6 = arith.constant 0 : index
    %swap3A_7 = vector.load %arg2[%swap3A, %swap3A_6] : memref<10000x1xf32, #tpu.memory_space<vmem>>, vector<10000x1xf32>
    tpu.vector_store %arg2[%swap3A, %swap3A_6], %rsqrt3A {strides = array<i32>} : memref<10000x1xf32, #tpu.memory_space<vmem>>, vector<10000x1xf32>,
    %get3A_8 = arith.constant 0 : index
    %get3A_9 = arith.constant 0 : index
    %get3A_10 = vector.load %arg1[%get3A_8, %get3A_9] : memref<10000x128xf32, #tpu.memory_space<vmem>>, vector<10000x128xf32>
    %mul3A = vector.broadcast %rsqrt3A : vector<10000x1xf32> to vector<10000x128xf32>
    %mul3A_11 = arith.mulf %mul3A, %get3A_10 : vector<10000x128xf32>
    %swap3A_12 = arith.constant 0 : index
    %swap3A_13 = arith.constant 0 : index
    %swap3A_14 = vector.load %arg3[%swap3A_12, %swap3A_13] : memref<10000x128xf32, #tpu.memory_space<vmem>>, vector<10000x128xf32>
    tpu.vector_store %arg3[%swap3A_12, %swap3A_13], %mul3A_11 {strides = array<i32>} : memref<10000x128xf32, #tpu.memory_space<vmem>>, vector<10000x128xf32>,
    return
  }
}

module attributes {stable_mosaic.version = 14 : i64} {
  func.func @_final_body(%arg0: i32, %arg1: memref<1000x128xf32, #tpu.memory_space<vmem>>, %arg2: memref<1000x128xf32, #tpu.memory_space<vmem>>, %arg3: memref<1000x128xf32, #tpu.memory_space<vmem>>, %arg4: memref<1000x1xf32, #tpu.memory_space<vmem>>, %arg5: memref<128x512xf32, #tpu.memory_space<vmem>>, %arg6: memref<1x512xf32, #tpu.memory_space<vmem>>, %arg7: memref<1000x512xf32, #tpu.memory_space<vmem>>) attributes {dimension_semantics = [#tpu.dimension_semantics<arbitrary>], iteration_bounds = array<i64: 10>, scalar_prefetch = 0 : i64, scratch_operands = 0 : i64, tpu.core_type = #tpu.core_type<tc>, window_params = [{transform_indices = @transform_0, window_bounds = array<i64: 1000, 128>}, {transform_indices = @transform_1, window_bounds = array<i64: 1000, 128>}, {transform_indices = @transform_2, window_bounds = array<i64: 1000, 128>}, {transform_indices = @transform_3, window_bounds = array<i64: 1000, 1>}, {pipeline_mode = #tpu.pipeline_mode<synchronous>, transform_indices = @transform_4, window_bounds = array<i64: 128, 512>}, {pipeline_mode = #tpu.pipeline_mode<synchronous>, transform_indices = @transform_5, window_bounds = array<i64: 1, 512>}, {transform_indices = @transform_6, window_bounds = array<i64: 1000, 512>}]} {
    %get3A = arith.constant 0 : index
    %get3A_0 = arith.constant 0 : index
    %get3A_1 = vector.load %arg1[%get3A, %get3A_0] : memref<1000x128xf32, #tpu.memory_space<vmem>>, vector<1000x128xf32>
    %get3A_2 = arith.constant 0 : index
    %get3A_3 = arith.constant 0 : index
    %get3A_4 = vector.load %arg2[%get3A_2, %get3A_3] : memref<1000x128xf32, #tpu.memory_space<vmem>>, vector<1000x128xf32>
    %add3A = arith.addf %get3A_1, %get3A_4 : vector<1000x128xf32>
    %get3A_5 = arith.constant 0 : index
    %get3A_6 = arith.constant 0 : index
    %get3A_7 = vector.load %arg3[%get3A_5, %get3A_6] : memref<1000x128xf32, #tpu.memory_space<vmem>>, vector<1000x128xf32>
    %add3A_8 = arith.addf %add3A, %get3A_7 : vector<1000x128xf32>
    %get3A_9 = arith.constant 0 : index
    %get3A_10 = arith.constant 0 : index
    %get3A_11 = vector.load %arg4[%get3A_9, %get3A_10] : memref<1000x1xf32, #tpu.memory_space<vmem>>, vector<1000x1xf32>
    %mul3A = vector.broadcast %get3A_11 : vector<1000x1xf32> to vector<1000x128xf32>
    %mul3A_12 = arith.mulf %add3A_8, %mul3A : vector<1000x128xf32>
    %get3A_13 = arith.constant 0 : index
    %get3A_14 = arith.constant 0 : index
    %get3A_15 = vector.load %arg5[%get3A_13, %get3A_14] : memref<128x512xf32, #tpu.memory_space<vmem>>, vector<128x512xf32>
    %dot_general3A = arith.constant dense<0.000000e+00> : vector<1000x512xf32>
    %dot_general3A_16 = tpu.matmul %mul3A_12, %get3A_15, %dot_general3A {dimension_numbers = #tpu.dot_dimension_numbers<[1], [0], [0], [1], [0, 0, 1, 1], [], []>, transpose_lhs_hint = false} : vector<1000x128xf32>, vector<128x512xf32>, vector<1000x512xf32> -> vector<1000x512xf32>
    %get3A_17 = arith.constant 0 : index
    %get3A_18 = arith.constant 0 : index
    %get3A_19 = vector.load %arg6[%get3A_17, %get3A_18] : memref<1x512xf32, #tpu.memory_space<vmem>>, vector<1x512xf32>
    %add3A_20 = vector.broadcast %get3A_19 : vector<1x512xf32> to vector<1000x512xf32>
    %add3A_21 = arith.addf %dot_general3A_16, %add3A_20 : vector<1000x512xf32>
    %swap3A = arith.constant 0 : index
    %swap3A_22 = arith.constant 0 : index
    %swap3A_23 = vector.load %arg7[%swap3A, %swap3A_22] : memref<1000x512xf32, #tpu.memory_space<vmem>>, vector<1000x512xf32>
    tpu.vector_store %arg7[%swap3A, %swap3A_22], %add3A_21 {strides = array<i32>} : memref<1000x512xf32, #tpu.memory_space<vmem>>, vector<1000x512xf32>,
    return
  }
  func.func @transform_0(%arg0: i32) -> (i32, i32) {
    %c0_i32 = arith.constant 0 : i32
    %c0_i32_0 = arith.constant 0 : i32
    return %arg0, %c0_i32 : i32, i32
  }
  func.func @transform_1(%arg0: i32) -> (i32, i32) {
    %c0_i32 = arith.constant 0 : i32
    %c0_i32_0 = arith.constant 0 : i32
    return %arg0, %c0_i32 : i32, i32
  }
  func.func @transform_2(%arg0: i32) -> (i32, i32) {
    %c0_i32 = arith.constant 0 : i32
    %c0_i32_0 = arith.constant 0 : i32
    return %arg0, %c0_i32 : i32, i32
  }
  func.func @transform_3(%arg0: i32) -> (i32, i32) {
    %c0_i32 = arith.constant 0 : i32
    %c0_i32_0 = arith.constant 0 : i32
    return %arg0, %c0_i32 : i32, i32
  }
  func.func @transform_4(%arg0: i32) -> (i32, i32) {
    %c0_i32 = arith.constant 0 : i32
    %c0_i32_0 = arith.constant 0 : i32
    %c0_i32_1 = arith.constant 0 : i32
    return %c0_i32, %c0_i32_0 : i32, i32
  }
  func.func @transform_5(%arg0: i32) -> (i32, i32) {
    %c0_i32 = arith.constant 0 : i32
    %c0_i32_0 = arith.constant 0 : i32
    %c0_i32_1 = arith.constant 0 : i32
    return %c0_i32, %c0_i32_0 : i32, i32
  }
  func.func @transform_6(%arg0: i32) -> (i32, i32) {
    %c0_i32 = arith.constant 0 : i32
    %c0_i32_0 = arith.constant 0 : i32
    return %arg0, %c0_i32 : i32, i32
  }
}

</mosaic_0001>

<sc_bundles>
// kernel: kernel.6.cloned.1.call-start
scs
__scs_entry_jumppad:
0x0: {  	(pc) =	sbr.rel $0x88, $3  }
0x1: {  	(tag) =	ssettag $0x0;
	lr =	simm.s32 $0x1  }
0x2: {  	[smem:$0x3F9D] =	sst lr;
	_ =	strace $0xD0000000  }
0x3: {  	_ = 	snop  }
0x4: {  	_ = 	snop  }
0x5: {  	_ = 	snop  }
0x6: {  	_ = 	snop  }
0x7: {  	_ = 	snop  }
__scs_overlays_trampoline_lowered:
0x8: {  	[smem:$0x3FAC] =	sst s0  }
0x9: {  	[smem:$0x3FAD] =	sst s1  }
0xa: {  	[smem:$0x3FAE] =	sst s2  }
0xb: {  	[smem:$0x3FAF] =	sst s3  }
0xc: {  	[smem:$0x3FB0] =	sst s4  }
0xd: {  	[smem:$0x3FB1] =	sst s5  }
0xe: {  	[smem:$0x3FB2] =	sst s6  }
0xf: {  	[smem:$0x3FB3] =	sst s7  }
0x10: {  	[smem:$0x3FB4] =	sst s8  }
0x11: {  	[smem:$0x3FB5] =	sst s9;
	s0 =	simm.s32 @!p0 $0x0  }
0x12: {  	s1 =	sld [smem:$0x3F9B];
	s0 =	simm.s32 @p0 $0x1  }
0x13: {  	[smem:$0x3FB6] =	sst s0;
	s0 =	simm.s32 @!p1 $0x0  }
0x14: {  	s2 =	sld [smem:$0x3F9A];
	s0 =	simm.s32 @p1 $0x1  }
0x15: {  	[smem:$0x3FB7] =	sst s0;
	s0 =	simm.s32 @!p2 $0x0  }
0x16: {  	s3 =	sld [smem:$0x3FDB];
	s0 =	simm.s32 @p2 $0x1  }
0x17: {  	s4 =	simm.s32 $0x1BF5;
	[smem:$0x3FB9] =	sst s0  }
0x18: {  	s0 =	sld [smem:$0x3F9C];
	_ =	swait.ge [sflag:s4], $0x0  }
0x19: {  	s7 =	sld [smem:$0x3F9D]  }
0x1a: {  	s8 =	sadd.s32 $0xFFFFE003, lr  }
0x1b: {  	s9 =	sadd.s32 $0xFFFFFEF7, lr;
	s5 =	simm.s32 $0xFFFFFFFF;
	p2 =	slt.u32 s8, $0xFFFFF086  }
0x1c: {  	p1 =	slt.u32 s9, $0xF7A;
	s5 =	simm.s32 @!p2 $0x0  }
0x1d: {  	s5 =	simm.s32 @p1 $0x1;
	p0 =	seq.s32 s7, s2  }
0x1e: {  	s7 =	smul.u32 @!p0 $0xF7A, s2;
	p2 =	seq.s32 @!p0 s5, $0x0  }
0x1f: {  	s9 =	smul.u32 $0xF7A, s1;
	s8 =	simm.s32 @!p0 $0x1BF5;
	p2 =	por !p2, p0  }
0x20: {  	[sflag:s8] =	ssyncset.s32 @!p0 $0xFFFFF086;
	s6 =	sadd.s32 @!p0 s3, s7;
	s7 =	simm.s32 @!p0 $0x108  }
0x21: {  	s3 =	sadd.s32 s3, s9;
	s6 =	sadd.s32 @!p0 $0x88, s6;
	s7 =	simm.s32 @p2 $0x1082  }
0x22: {  	[simem:s7], [sflag:s8] =	dma.local @!p0 [hbm:s6], $0xF7A  }
0x23: {  	s9 =	sor.u32 $0xD0000000, s2;
	s6 =	simm.s32 $0x108;
	_ =	swait.ge @!p0 [sflag:s8], $0x0  }
0x24: {  	s3 =	sadd.s32 $0x88, s3;
	s6 =	simm.s32 @!p1 $0x1082;
	[sflag:s4] =	ssyncset.s32 $0xFFFFF086  }
0x25: {  	[simem:s6], [sflag:s4] =	dma.local [hbm:s3], $0xF7A  }
0x26: {  	[smem:$0x3F9D] =	sst s1;
	(tag) =	ssettag s2;
	_ =	strace s9  }
0x27: {  	s1 =	sld [smem:$0x3FAD]  }
0x28: {  	s2 =	sld [smem:$0x3FAE]  }
0x29: {  	s4 =	sld [smem:$0x3FB0]  }
0x2a: {  	p0 =	seq.s32 s5, $0x0;
	s5 =	sld [smem:$0x3FB1]  }
0x2b: {  	s6 =	sld [smem:$0x3FB2]  }
0x2c: {  	s7 =	sld [smem:$0x3FB3]  }
0x2d: {  	s3 =	simm.s32 $0x108;
	s8 =	sld [smem:$0x3FB4]  }
0x2e: {  	s3 =	simm.s32 @!p0 $0x1082;
	s9 =	sld [smem:$0x3FB5]  }
0x2f: {  	lr =	sadd.s32 s0, s3;
	s0 =	sld [smem:$0x3FAC]  }
0x30: {  	s3 =	sld [smem:$0x3FAF]  }
0x31: {  	[smem:$0x3FB8] =	sst s10  }
0x32: {  	s10 =	sld [smem:$0x3FB6];
	_ =	sdelay $0x3  }
0x33: {  	p0 =	seq.s32 s10, $0x1;
	s10 =	sld [smem:$0x3FB8];
	_ =	sdelay $0x3  }
0x34: {  	[smem:$0x3FB8] =	sst s10  }
0x35: {  	s10 =	sld [smem:$0x3FB7];
	_ =	sdelay $0x3  }
0x36: {  	p1 =	seq.s32 s10, $0x1;
	s10 =	sld [smem:$0x3FB8];
	_ =	sdelay $0x3  }
0x37: {  	[smem:$0x3FB8] =	sst s10  }
0x38: {  	s10 =	sld [smem:$0x3FB9]  }
0x39: {  	_ = 	snop;
	(pc) =	sbr.ind lr, $3  }
0x3a: {  	_ = 	snop  }
0x3b: {  	_ = 	snop  }
0x3c: {  	p2 =	seq.s32 s10, $0x1;
	s10 =	sld [smem:$0x3FB8]  }
0x3d: {  	_ =	shalt  }
0x3e: {  	_ =	shalt  }
0x3f: {  	_ =	shalt  }
0x40: {  	_ =	shalt  }
0x41: {  	_ =	shalt  }
0x42: {  	_ =	shalt  }
0x43: {  	_ =	shalt  }
0x44: {  	_ =	shalt  }
0x45: {  	_ =	shalt  }
0x46: {  	_ =	shalt  }
0x47: {  	_ =	shalt  }
0x48: {  	_ =	shalt  }
0x49: {  	_ =	shalt  }
0x4a: {  	_ =	shalt  }
0x4b: {  	_ =	shalt  }
0x4c: {  	_ =	shalt  }
0x4d: {  	_ =	shalt  }
0x4e: {  	_ =	shalt  }
0x4f: {  	_ =	shalt  }
0x50: {  	_ =	shalt  }
0x51: {  	_ =	shalt  }
0x52: {  	_ =	shalt  }
0x53: {  	_ =	shalt  }
0x54: {  	_ =	shalt  }
0x55: {  	_ =	shalt  }
0x56: {  	_ =	shalt  }
0x57: {  	_ =	shalt  }
0x58: {  	_ =	shalt  }
0x59: {  	_ =	shalt  }
0x5a: {  	_ =	shalt  }
0x5b: {  	_ =	shalt  }
0x5c: {  	_ =	shalt  }
0x5d: {  	_ =	shalt  }
0x5e: {  	_ =	shalt  }
0x5f: {  	_ =	shalt  }
0x60: {  	_ =	shalt  }
0x61: {  	_ =	shalt  }
0x62: {  	_ =	shalt  }
0x63: {  	_ =	shalt  }
0x64: {  	_ =	shalt  }
0x65: {  	_ =	shalt  }
0x66: {  	_ =	shalt  }
0x67: {  	_ =	shalt  }
0x68: {  	_ =	shalt  }
0x69: {  	_ =	shalt  }
0x6a: {  	_ =	shalt  }
0x6b: {  	_ =	shalt  }
0x6c: {  	_ =	shalt  }
0x6d: {  	_ =	shalt  }
0x6e: {  	_ =	shalt  }
0x6f: {  	_ =	shalt  }
0x70: {  	_ =	shalt  }
0x71: {  	_ =	shalt  }
0x72: {  	_ =	shalt  }
0x73: {  	_ =	shalt  }
0x74: {  	_ =	shalt  }
0x75: {  	_ =	shalt  }
0x76: {  	_ =	shalt  }
0x77: {  	_ =	shalt  }
0x78: {  	_ =	shalt  }
0x79: {  	_ =	shalt  }
0x7a: {  	_ =	shalt  }
0x7b: {  	_ =	shalt  }
0x7c: {  	_ =	shalt  }
0x7d: {  	_ =	shalt  }
0x7e: {  	_ =	shalt  }
0x7f: {  	_ =	shalt  }
0x80: {  	_ =	shalt  }
0x81: {  	_ =	shalt  }
0x82: {  	_ =	shalt  }
0x83: {  	_ =	shalt  }
0x84: {  	_ =	shalt  }
0x85: {  	_ =	shalt  }
0x86: {  	_ =	shalt  }
0x87: {  	_ =	shalt  }
.Lfunc_end0:
.L_simem_size_0:
called_computation_lowered:
.L_overlay_start_0:
0x88: {  	s2 =	sld [smem:$0x3FD9]  }
0x89: {  	s3 =	sld [smem:$0x3FFE];
	_ =	sdelay $0x1  }
0x8a: {  	s1 =	srdreg.scid  }
0x8b: {  	s0 =	sand.u32 $0x1, s1  }
0x8c: {  	s17 =	sshll.u32 s0, $0xA;
	s2 =	sadd.s32 s3, s2  }
0x8d: {  	s2 =	sadd.s32 s2, s17  }
0x8e: {  	[smem:$0x3FC4] =	sst s2  }
0x8f: {  	_ = 	snop  }
0x90: {  	s2 =	sld [smem:$0x3FD0];
	(tm) =	ssettm $0x1  }
0x91: {  	s18 =	sld [smem:$0x3FFB];
	_ =	sdelay $0x3  }
0x92: {  	_ =	strace s18  }
0x93: {  	s3 =	sld [smem:$0x3FFC];
	_ =	sdelay $0x3  }
0x94: {  	_ =	strace s3  }
0x95: {  	s3 =	sld [smem:$0x3FFD];
	_ =	sdelay $0x3  }
0x96: {  	_ =	strace s3  }
0x97: {  	_ =	strace $0x8FFFFFFF  }
0x98: {  	s19 =	sld [smem:$0x3FDB];
	_ =	sdelay $0x1  }
0x99: {  	s4 =	simm.s32 $_scs_section_size  }
0x9a: {  	s5 =	simm.s32 $_size__tile_overlayer_lowered;
	s6 =	simm.s32 $_tile_overlayer_lowered  }
0x9b: {  	s22 =	simm.s32 $0x1BFF;
	s21 =	sshll.u32 s6, $0x1;
	s3 =	sadd.s32 s4, s19  }
0x9c: {  	s7 =	simm.s32 $0x0;
	s20 =	sshll.u32 s5, $0x1;
	s5 =	sadd.s32 s21, s3  }
0x9d: {  	[timem:s7], [sflag:s22] =	dma.local [hbm:s5], s20  }
0x9e: {  	_ =	swait.ge [sflag:s22], s20  }
0x9f: {  	s4 =	ssub.s32 $0x0, s20;
	[sflag:s22] =	ssyncset.done $0x0  }
0xa0: {  	[sflag:s22] =	ssyncadd.s32 s4;
	_ =	sdelay $0x1  }
0xa1: {  	s23 =	simm.s32 $0x1B8B  }
0xa2: {  	_ =	swait.ge [sflag:s23], $0x1  }
0xa3: {  	[sflag:s23] =	ssyncset.done $0x0  }
0xa4: {  	s25 =	simm.s32 $0x1B8E;
	s24 =	sld [smem:$0x3FFE];
	[sflag:s23] =	ssyncadd.s32 $0xFFFFFFFF  }
0xa5: {  	s26 =	simm.s32 $execute0_lowered;
	[smem:$0x3FD2] =	sst s25  }
0xa6: {  	s5 =	sshll.u32 s26, $0x1;
	_ =	strace $0x80000046;
	[dreg:$0x1] =	wrdreg $0xFFFFFFFF  }
0xa7: {  	s28 =	simm.s32 $_size_execute0_lowered;
	s3 =	sadd.s32 s3, s5;
	[dreg:$0x0] =	wrdreg $0x0  }
0xa8: {  	s5 =	sshll.u32 s28, $0x1;
	[dreg:$0x2] =	wrdreg s3  }
0xa9: {  	[dreg:$0x3] =	wrdreg s5  }
0xaa: {  	[dreg:$0x4] =	wrdreg $0xC0  }
0xab: {  	_ =	task [dreg:s7], $0x5FFFF  }
0xac: {  	[dreg:$0x1] =	wrdreg $0xFFFFFFFF  }
0xad: {  	[dreg:$0x0] =	wrdreg $0x60  }
0xae: {  	[dreg:$0x2] =	wrdreg s24  }
0xaf: {  	[dreg:$0x3] =	wrdreg s2  }
0xb0: {  	[dreg:$0x4] =	wrdreg $0x9  }
0xb1: {  	_ =	task.clear_ibuf [dreg:s7], $0x5FFFF;
	_ =	strace $0x90000046  }
0xb2: {  	s29 =	simm.s32 $0x9;
	_ =	strace $0x80000048  }
0xb3: {  	_ =	swait.ge [sflag:s29], $0x1  }
0xb4: {  	[sflag:s29] =	ssyncadd.s32 $0xFFFFFFFF  }
0xb5: {  	_ =	strace $0x90000048  }
0xb6: {  	_ =	sfence  }
0xb7: {  	s30 =	sld [smem:$0x0];
	_ =	sdelay $0x2  }
0xb8: {  	s31 =	sshll.u32 s1, $0xD;
	s1 =	sshrl.u32 s1, $0x2  }
0xb9: {  	s3 =	sand.u32 $0x4000, s31;
	s1 =	sadd.s32 s1, s30  }
0xba: {  	s0 =	sor.u32 s3, s0;
	s1 =	sshll.u32 s1, $0x11  }
0xbb: {  	s0 =	sor.u32 s1, s0  }
0xbc: {  	s0 =	sadd.s32 $0x8F2B, s0  }
0xbd: {  	[sflag:s0] =	ssyncadd.remote.s32 $0x1  }
0xbe: {  	_ =	sfence.sel $0xFFFF  }
0xbf: {  	[dreg:$0x0] =	wrdreg $0xFFFFFFFF;
	(pc) =	sbr.abs _section_cstart, $3  }
0xc0: {  	[dreg:$0x1] =	wrdreg $0xFFFFFFFF  }
0xc1: {  	_ =	task.clear_ibuf [dreg:s7], $0x2FFFF;
	_ =	strace $0x9FFFFFFF  }
0xc2: {  	(tm) =	ssettm $0x7FFFFFFF  }
0xc3: {  	_ =	shalt  }
tec
execute0_lowered:
.L_overlay_start_1:
0x0: {  	(tag) =	ssettag $0x1  }
0x1: {  	s0 =	srdreg.scid;
	s3 =	rddreg [dreg:$0x0]  }
0x2: {  	s5 =	rddreg [dreg:$0x1];
	s4 =	sand.u32 $0x1, s0  }
0x3: {  	s1 =	stileid.u32;
	s8 =	simm.s32 $0x0;
	s2 =	sshll.u32 s4, $0x4  }
0x4: {  	s4 =	ssub.s32 $0x2, s4;
	s6 =	sor.u32 s1, s2;
	s2 =	simm.s32 $0x0  }
0x5: {  	s7 =	sshrl.u32 s4, $0x1;
	s6 =	smul.u32 $0x4E2, s6;
	[smem:$0x7FF] =	sst s2  }
0x6: {  	s0 =	rddreg [dreg:$0x2];
	s7 =	ssub.s32 s4, s7;
	_ =	strace $0x80000047  }
0x7: {  	s3 =	sadd.s32 s6, s3;
	s4 =	sadd.s32 s5, s6;
	s5 =	smax.u32 s7, $0x1  }
0x8: {  	v0 =	vimm.f32 $0.0e+00;
	v1 =	vimm.f32 $1.000000000e+00;
	s6 =	simm.s32 $0x1;
	s7 =	simm.s32 $0x2780;
	s3 =	sadd.s32 $0x1400, s3  }
.LBB2_1:
0x9: {  	[tilespmem:s2], [sflag:$0x1] =	stream.linear.gather [hbm4b:s3+s2], $0x2710, $0x38;
	[tilespmem:$0x4F00] =	vst v63  }
0xa: {  	_ =	swait.ge [sflag:s6], $0x2710  }
0xb: {  	[sflag:s6] =	ssyncset.done $0x0  }
0xc: {  	s9 =	simm.s32 $0x0;
	[sflag:s6] =	ssyncadd.s32 $0xFFFFD8F0  }
.LBB2_2:
0xd: {  	p0 =	sne.s32 s9, $0x9C00  }
.Ltmp0:
0xe: {  	_ = 	snop;
	(pc) =	sbr.rel @p0 .LBB2_2-.Ltmp0, $3  }
0xf: {  	_ =	sdelay $0x1  }
0x10: {  	s10 =	sshra.s32 s9, $0x2  }
0x11: {  	s9 =	sadd.s32 $0x40, s9;
	[tilespmem:s10+$0x2780] =	vst v0  }
0x12: {  	s10 =	simm.s32 $0x0;
	s9 =	simm.s32 $0x40  }
.LBB2_4:
0x13: {  	p0 =	sne.s32 s9, $0x9C00;
	v2 =	vld [tilespmem:s10+$0x0];
	_ =	sdelay $0x3  }
.Ltmp1:
0x14: {  	(pc) =	sbr.rel @p0 .LBB2_4-.Ltmp1, $2  }
0x15: {  	_ =	sdelay $0x2  }
0x16: {  	s10 =	sshra.s32 s9, $0x2;
	s9 =	sadd.s32 $0x40, s9;
	[tilespmem:v2+s7+$0x0] =	vst.idx.add.f32.msk $0xffff, v1  }
0x17: {  	v2 =	vld [tilespmem:s10+$0x0];
	_ =	sdelay $0x5  }
0x18: {  	s8 =	sadd.s32 $0x1, s8  }
0x19: {  	p0 =	sne.s32 s8, s5  }
.Ltmp2:
0x1a: {  	[tilespmem:v2+s7+$0x0] =	vst.idx.add.f32.msk $0xffff, v1;
	(pc) =	sbr.rel @p0 .LBB2_1-.Ltmp2, $4  }
0x1b: {  	[hbm4b:s4+s2] =	stream.linear.scatter [tilespmem:s7], [sflag:$0x1], $0x2710, $0x38;
	[tilespmem:$0x4F00] =	vst v63  }
0x1c: {  	_ =	swait.ge [sflag:s6], $0x2710  }
0x1d: {  	[sflag:s6] =	ssyncset.done $0x0  }
0x1e: {  	[sflag:s6] =	ssyncadd.s32 $0xFFFFD8F0  }
0x1f: {  	_ =	sfence.sel $0x180000  }
0x20: {  	[bflag:$0x0] =	sbarrier.arrive $0xFFFF  }
0x21: {  	p0 =	sne.s32 s1, $0x0;
	_ =	strace $0x90000047  }
0x22: {  	s0 =	sadd.s32 @!p0 $0x100000, s0;
	[bflag:$0x2] =	sbarrier.arrive $0xFFFF  }
0x23: {  	[sflag:s0] =	ssyncadd.tile.s32 @!p0 $0x1;
	_ =	shalt  }
.Lfunc_end2:
_tile_overlayer_lowered:
.L_overlay_start_2:
0x24: {  	(tag) =	ssettag $0x2  }
0x25: {  	s0 =	rddreg [dreg:$0x0];
	s2 =	stileid.u32  }
0x26: {  	s1 =	rddreg [dreg:$0x1];
	p0 =	sne.s32 s2, $0x0  }
0x27: {  	s3 =	rddreg [dreg:$0x2];
	[bflag:$0x3] =	sbarrier.arrive $0xFFFF;
	s2 =	simm.s32 @!p0 $0x1C01  }
0x28: {  	[timem:s3], [sflag:s2] =	dma.local @!p0 [hbm:s0], s1  }
0x29: {  	s0 =	simm.s32 @!p0 $0x1  }
0x2a: {  	_ =	swait.ge @!p0 [sflag:s0], s1  }
0x2b: {  	s1 =	ssub.s32 @!p0 $0x0, s1;
	[sflag:s0] =	ssyncset.done @!p0 $0x0  }
0x2c: {  	[sflag:s0] =	ssyncadd.s32 @!p0 s1  }
0x2d: {  	[bflag:$0x3] =	sbarrier.arrive $0xFFFF  }
0x2e: {  	_ =	shalt  }

// kernel: kernel.9.cloned.1.call-start
scs
__scs_entry_jumppad:
0x0: {  	(pc) =	sbr.rel $0x88, $3  }
0x1: {  	(tag) =	ssettag $0x0;
	lr =	simm.s32 $0x1  }
0x2: {  	[smem:$0x3F9D] =	sst lr;
	_ =	strace $0xD0000000  }
0x3: {  	_ = 	snop  }
0x4: {  	_ = 	snop  }
0x5: {  	_ = 	snop  }
0x6: {  	_ = 	snop  }
0x7: {  	_ = 	snop  }
__scs_overlays_trampoline_lowered:
0x8: {  	[smem:$0x3FAC] =	sst s0  }
0x9: {  	[smem:$0x3FAD] =	sst s1  }
0xa: {  	[smem:$0x3FAE] =	sst s2  }
0xb: {  	[smem:$0x3FAF] =	sst s3  }
0xc: {  	[smem:$0x3FB0] =	sst s4  }
0xd: {  	[smem:$0x3FB1] =	sst s5  }
0xe: {  	[smem:$0x3FB2] =	sst s6  }
0xf: {  	[smem:$0x3FB3] =	sst s7  }
0x10: {  	[smem:$0x3FB4] =	sst s8  }
0x11: {  	[smem:$0x3FB5] =	sst s9;
	s0 =	simm.s32 @!p0 $0x0  }
0x12: {  	s1 =	sld [smem:$0x3F9B];
	s0 =	simm.s32 @p0 $0x1  }
0x13: {  	[smem:$0x3FB6] =	sst s0;
	s0 =	simm.s32 @!p1 $0x0  }
0x14: {  	s2 =	sld [smem:$0x3F9A];
	s0 =	simm.s32 @p1 $0x1  }
0x15: {  	[smem:$0x3FB7] =	sst s0;
	s0 =	simm.s32 @!p2 $0x0  }
0x16: {  	s3 =	sld [smem:$0x3FDB];
	s0 =	simm.s32 @p2 $0x1  }
0x17: {  	s4 =	simm.s32 $0x1BF5;
	[smem:$0x3FB9] =	sst s0  }
0x18: {  	s0 =	sld [smem:$0x3F9C];
	_ =	swait.ge [sflag:s4], $0x0  }
0x19: {  	s7 =	sld [smem:$0x3F9D]  }
0x1a: {  	s8 =	sadd.s32 $0xFFFFE003, lr  }
0x1b: {  	s9 =	sadd.s32 $0xFFFFFEF7, lr;
	s5 =	simm.s32 $0xFFFFFFFF;
	p2 =	slt.u32 s8, $0xFFFFF086  }
0x1c: {  	p1 =	slt.u32 s9, $0xF7A;
	s5 =	simm.s32 @!p2 $0x0  }
0x1d: {  	s5 =	simm.s32 @p1 $0x1;
	p0 =	seq.s32 s7, s2  }
0x1e: {  	s7 =	smul.u32 @!p0 $0xF7A, s2;
	p2 =	seq.s32 @!p0 s5, $0x0  }
0x1f: {  	s9 =	smul.u32 $0xF7A, s1;
	s8 =	simm.s32 @!p0 $0x1BF5;
	p2 =	por !p2, p0  }
0x20: {  	[sflag:s8] =	ssyncset.s32 @!p0 $0xFFFFF086;
	s6 =	sadd.s32 @!p0 s3, s7;
	s7 =	simm.s32 @!p0 $0x108  }
0x21: {  	s3 =	sadd.s32 s3, s9;
	s6 =	sadd.s32 @!p0 $0x88, s6;
	s7 =	simm.s32 @p2 $0x1082  }
0x22: {  	[simem:s7], [sflag:s8] =	dma.local @!p0 [hbm:s6], $0xF7A  }
0x23: {  	s9 =	sor.u32 $0xD0000000, s2;
	s6 =	simm.s32 $0x108;
	_ =	swait.ge @!p0 [sflag:s8], $0x0  }
0x24: {  	s3 =	sadd.s32 $0x88, s3;
	s6 =	simm.s32 @!p1 $0x1082;
	[sflag:s4] =	ssyncset.s32 $0xFFFFF086  }
0x25: {  	[simem:s6], [sflag:s4] =	dma.local [hbm:s3], $0xF7A  }
0x26: {  	[smem:$0x3F9D] =	sst s1;
	(tag) =	ssettag s2;
	_ =	strace s9  }
0x27: {  	s1 =	sld [smem:$0x3FAD]  }
0x28: {  	s2 =	sld [smem:$0x3FAE]  }
0x29: {  	s4 =	sld [smem:$0x3FB0]  }
0x2a: {  	p0 =	seq.s32 s5, $0x0;
	s5 =	sld [smem:$0x3FB1]  }
0x2b: {  	s6 =	sld [smem:$0x3FB2]  }
0x2c: {  	s7 =	sld [smem:$0x3FB3]  }
0x2d: {  	s3 =	simm.s32 $0x108;
	s8 =	sld [smem:$0x3FB4]  }
0x2e: {  	s3 =	simm.s32 @!p0 $0x1082;
	s9 =	sld [smem:$0x3FB5]  }
0x2f: {  	lr =	sadd.s32 s0, s3;
	s0 =	sld [smem:$0x3FAC]  }
0x30: {  	s3 =	sld [smem:$0x3FAF]  }
0x31: {  	[smem:$0x3FB8] =	sst s10  }
0x32: {  	s10 =	sld [smem:$0x3FB6];
	_ =	sdelay $0x3  }
0x33: {  	p0 =	seq.s32 s10, $0x1;
	s10 =	sld [smem:$0x3FB8];
	_ =	sdelay $0x3  }
0x34: {  	[smem:$0x3FB8] =	sst s10  }
0x35: {  	s10 =	sld [smem:$0x3FB7];
	_ =	sdelay $0x3  }
0x36: {  	p1 =	seq.s32 s10, $0x1;
	s10 =	sld [smem:$0x3FB8];
	_ =	sdelay $0x3  }
0x37: {  	[smem:$0x3FB8] =	sst s10  }
0x38: {  	s10 =	sld [smem:$0x3FB9]  }
0x39: {  	_ = 	snop;
	(pc) =	sbr.ind lr, $3  }
0x3a: {  	_ = 	snop  }
0x3b: {  	_ = 	snop  }
0x3c: {  	p2 =	seq.s32 s10, $0x1;
	s10 =	sld [smem:$0x3FB8]  }
0x3d: {  	_ =	shalt  }
0x3e: {  	_ =	shalt  }
0x3f: {  	_ =	shalt  }
0x40: {  	_ =	shalt  }
0x41: {  	_ =	shalt  }
0x42: {  	_ =	shalt  }
0x43: {  	_ =	shalt  }
0x44: {  	_ =	shalt  }
0x45: {  	_ =	shalt  }
0x46: {  	_ =	shalt  }
0x47: {  	_ =	shalt  }
0x48: {  	_ =	shalt  }
0x49: {  	_ =	shalt  }
0x4a: {  	_ =	shalt  }
0x4b: {  	_ =	shalt  }
0x4c: {  	_ =	shalt  }
0x4d: {  	_ =	shalt  }
0x4e: {  	_ =	shalt  }
0x4f: {  	_ =	shalt  }
0x50: {  	_ =	shalt  }
0x51: {  	_ =	shalt  }
0x52: {  	_ =	shalt  }
0x53: {  	_ =	shalt  }
0x54: {  	_ =	shalt  }
0x55: {  	_ =	shalt  }
0x56: {  	_ =	shalt  }
0x57: {  	_ =	shalt  }
0x58: {  	_ =	shalt  }
0x59: {  	_ =	shalt  }
0x5a: {  	_ =	shalt  }
0x5b: {  	_ =	shalt  }
0x5c: {  	_ =	shalt  }
0x5d: {  	_ =	shalt  }
0x5e: {  	_ =	shalt  }
0x5f: {  	_ =	shalt  }
0x60: {  	_ =	shalt  }
0x61: {  	_ =	shalt  }
0x62: {  	_ =	shalt  }
0x63: {  	_ =	shalt  }
0x64: {  	_ =	shalt  }
0x65: {  	_ =	shalt  }
0x66: {  	_ =	shalt  }
0x67: {  	_ =	shalt  }
0x68: {  	_ =	shalt  }
0x69: {  	_ =	shalt  }
0x6a: {  	_ =	shalt  }
0x6b: {  	_ =	shalt  }
0x6c: {  	_ =	shalt  }
0x6d: {  	_ =	shalt  }
0x6e: {  	_ =	shalt  }
0x6f: {  	_ =	shalt  }
0x70: {  	_ =	shalt  }
0x71: {  	_ =	shalt  }
0x72: {  	_ =	shalt  }
0x73: {  	_ =	shalt  }
0x74: {  	_ =	shalt  }
0x75: {  	_ =	shalt  }
0x76: {  	_ =	shalt  }
0x77: {  	_ =	shalt  }
0x78: {  	_ =	shalt  }
0x79: {  	_ =	shalt  }
0x7a: {  	_ =	shalt  }
0x7b: {  	_ =	shalt  }
0x7c: {  	_ =	shalt  }
0x7d: {  	_ =	shalt  }
0x7e: {  	_ =	shalt  }
0x7f: {  	_ =	shalt  }
0x80: {  	_ =	shalt  }
0x81: {  	_ =	shalt  }
0x82: {  	_ =	shalt  }
0x83: {  	_ =	shalt  }
0x84: {  	_ =	shalt  }
0x85: {  	_ =	shalt  }
0x86: {  	_ =	shalt  }
0x87: {  	_ =	shalt  }
.Lfunc_end0:
.L_simem_size_0:
called_computation.1_lowered:
.L_overlay_start_0:
0x88: {  	s2 =	sld [smem:$0x3FD9]  }
0x89: {  	s3 =	sld [smem:$0x3FFE];
	_ =	sdelay $0x1  }
0x8a: {  	s1 =	srdreg.scid  }
0x8b: {  	s0 =	sand.u32 $0x1, s1  }
0x8c: {  	s17 =	sshll.u32 s0, $0xA;
	s2 =	sadd.s32 s3, s2  }
0x8d: {  	s2 =	sadd.s32 s2, s17  }
0x8e: {  	[smem:$0x3FC4] =	sst s2  }
0x8f: {  	_ = 	snop  }
0x90: {  	s2 =	sld [smem:$0x3FD0];
	(tm) =	ssettm $0x1  }
0x91: {  	s18 =	sld [smem:$0x3FFB];
	_ =	sdelay $0x3  }
0x92: {  	_ =	strace s18  }
0x93: {  	s3 =	sld [smem:$0x3FFC];
	_ =	sdelay $0x3  }
0x94: {  	_ =	strace s3  }
0x95: {  	s3 =	sld [smem:$0x3FFD];
	_ =	sdelay $0x3  }
0x96: {  	_ =	strace s3  }
0x97: {  	_ =	strace $0x8FFFFFFF  }
0x98: {  	s19 =	sld [smem:$0x3FDB];
	_ =	sdelay $0x1  }
0x99: {  	s4 =	simm.s32 $_scs_section_size  }
0x9a: {  	s5 =	simm.s32 $_size__tile_overlayer_lowered;
	s6 =	simm.s32 $_tile_overlayer_lowered  }
0x9b: {  	s22 =	simm.s32 $0x1BFF;
	s21 =	sshll.u32 s6, $0x1;
	s3 =	sadd.s32 s4, s19  }
0x9c: {  	s7 =	simm.s32 $0x0;
	s20 =	sshll.u32 s5, $0x1;
	s5 =	sadd.s32 s21, s3  }
0x9d: {  	[timem:s7], [sflag:s22] =	dma.local [hbm:s5], s20  }
0x9e: {  	_ =	swait.ge [sflag:s22], s20  }
0x9f: {  	s4 =	ssub.s32 $0x0, s20;
	[sflag:s22] =	ssyncset.done $0x0  }
0xa0: {  	[sflag:s22] =	ssyncadd.s32 s4;
	_ =	sdelay $0x1  }
0xa1: {  	s23 =	simm.s32 $0x1B8B  }
0xa2: {  	_ =	swait.ge [sflag:s23], $0x1  }
0xa3: {  	[sflag:s23] =	ssyncset.done $0x0  }
0xa4: {  	s25 =	simm.s32 $0x1B8E;
	s24 =	sld [smem:$0x3FFE];
	[sflag:s23] =	ssyncadd.s32 $0xFFFFFFFF  }
0xa5: {  	s26 =	simm.s32 $execute0_lowered;
	[smem:$0x3FD2] =	sst s25  }
0xa6: {  	s5 =	sshll.u32 s26, $0x1;
	_ =	strace $0x80000049;
	[dreg:$0x1] =	wrdreg $0xFFFFFFFF  }
0xa7: {  	s28 =	simm.s32 $_size_execute0_lowered;
	s3 =	sadd.s32 s3, s5;
	[dreg:$0x0] =	wrdreg $0x0  }
0xa8: {  	s5 =	sshll.u32 s28, $0x1;
	[dreg:$0x2] =	wrdreg s3  }
0xa9: {  	[dreg:$0x3] =	wrdreg s5  }
0xaa: {  	[dreg:$0x4] =	wrdreg $0xC0  }
0xab: {  	_ =	task [dreg:s7], $0x5FFFF  }
0xac: {  	[dreg:$0x1] =	wrdreg $0xFFFFFFFF  }
0xad: {  	[dreg:$0x0] =	wrdreg $0x60  }
0xae: {  	[dreg:$0x2] =	wrdreg s24  }
0xaf: {  	[dreg:$0x3] =	wrdreg s2  }
0xb0: {  	[dreg:$0x4] =	wrdreg $0xA4000  }
0xb1: {  	[dreg:$0x5] =	wrdreg $0x9  }
0xb2: {  	_ =	task.clear_ibuf [dreg:s7], $0x6FFFF;
	_ =	strace $0x90000049  }
0xb3: {  	s29 =	simm.s32 $0x9;
	_ =	strace $0x8000004B  }
0xb4: {  	_ =	swait.ge [sflag:s29], $0x1  }
0xb5: {  	[sflag:s29] =	ssyncadd.s32 $0xFFFFFFFF  }
0xb6: {  	_ =	strace $0x9000004B  }
0xb7: {  	_ =	sfence  }
0xb8: {  	s30 =	sld [smem:$0x0];
	_ =	sdelay $0x2  }
0xb9: {  	s31 =	sshll.u32 s1, $0xD;
	s1 =	sshrl.u32 s1, $0x2  }
0xba: {  	s3 =	sand.u32 $0x4000, s31;
	s1 =	sadd.s32 s1, s30  }
0xbb: {  	s0 =	sor.u32 s3, s0;
	s1 =	sshll.u32 s1, $0x11  }
0xbc: {  	s0 =	sor.u32 s1, s0  }
0xbd: {  	s0 =	sadd.s32 $0x8F2B, s0  }
0xbe: {  	[sflag:s0] =	ssyncadd.remote.s32 $0x1  }
0xbf: {  	_ =	sfence.sel $0xFFFF  }
0xc0: {  	[dreg:$0x0] =	wrdreg $0xFFFFFFFF;
	(pc) =	sbr.abs _section_cstart, $3  }
0xc1: {  	[dreg:$0x1] =	wrdreg $0xFFFFFFFF  }
0xc2: {  	_ =	task.clear_ibuf [dreg:s7], $0x2FFFF;
	_ =	strace $0x9FFFFFFF  }
0xc3: {  	(tm) =	ssettm $0x7FFFFFFF  }
tec
execute0_lowered:
.L_overlay_start_1:
0x0: {  	(tag) =	ssettag $0x1  }
0x1: {  	s0 =	rddreg [dreg:$0x0]  }
0x2: {  	s2 =	rddreg [dreg:$0x1]  }
0x3: {  	s1 =	rddreg [dreg:$0x2];
	s4 =	srdreg.scid;
	s3 =	simm.s32 $0x0  }
0x4: {  	s14 =	stileid.u32;
	s29 =	simm.s32 $0x380;
	s30 =	simm.s32 $0x1  }
0x5: {  	s31 =	simm.s32 $0x50;
	s7 =	sand.u32 $0x1, s4;
	s11 =	smul.u32 $0x4F000, s14  }
0x6: {  	[smem:$0x7FF] =	sst s3;
	s6 =	sadd.s32 $0x15000, s0;
	s13 =	smul.u32 $0x2710, s14  }
0x7: {  	s20 =	sshll.u32 s14, $0x6;
	s4 =	sshll.u32 s7, $0x4;
	s25 =	smul.u32 $0x27100, s7  }
0x8: {  	_ =	strace $0x8000004A;
	s8 =	ssub.s32 $0x2, s7;
	s7 =	smul.u32 $0x13C000, s7  }
0x9: {  	s5 =	sor.u32 s14, s4;
	s4 =	sadd.s32 $0xB200, s0;
	s10 =	sshrl.u32 s8, $0x1  }
0xa: {  	s9 =	smul.u32 $0x2710, s5;
	s5 =	sadd.s32 $0x1400, s0;
	s0 =	sadd.s32 $0x3C200, s0  }
0xb: {  	s19 =	sshrl.u32 s11, $0x2;
	s14 =	smul.u32 $0x13C00, s14;
	[dreg:$0xa] =	wrdreg s0  }
0xc: {  	s0 =	ssub.s32 s8, s10;
	s8 =	sadd.s32 s19, s1;
	s10 =	sadd.s32 s13, s25  }
0xd: {  	s7 =	sadd.s32 s14, s7;
	s13 =	simm.s32 $0xD;
	s14 =	simm.s32 $0xA  }
0xe: {  	s21 =	sshrl.u32 s9, $0x3;
	[dreg:$0xb] =	wrdreg s8;
	s9 =	sor.u32 $0x1C11, s20  }
0xf: {  	s16 =	sadd.s32 $0x230, s10;
	s7 =	sshrl.u32 s7, $0x3;
	s0 =	smax.u32 s0, $0x1  }
0x10: {  	s19 =	sadd.s32 $0x1E0, s10;
	s22 =	sadd.s32 s4, s21;
	[dreg:$0x16] =	wrdreg s0  }
0x11: {  	s23 =	sadd.s32 s5, s21;
	s24 =	sadd.s32 $0xA, s21;
	[dreg:$0xc] =	wrdreg s9  }
0x12: {  	s26 =	sadd.s32 $0x14, s21;
	s11 =	sadd.s32 $0x1E, s21;
	[dreg:$0xd] =	wrdreg s22  }
0x13: {  	s17 =	sshrl.u32 s16, $0x3;
	s2 =	sadd.s32 s2, s7;
	[dreg:$0xe] =	wrdreg s23  }
0x14: {  	s20 =	sshrl.u32 s19, $0x3;
	s12 =	sadd.s32 s4, s24;
	[dreg:$0x15] =	wrdreg s2  }
0x15: {  	s7 =	simm.s32 $0x11;
	s8 =	sadd.s32 s5, s24;
	[dreg:$0xf] =	wrdreg s12  }
0x16: {  	s0 =	simm.s32 $0x400;
	s28 =	sadd.s32 s4, s26;
	[dreg:$0x10] =	wrdreg s8  }
0x17: {  	s16 =	simm.s32 $0xC;
	s15 =	sadd.s32 s4, s11;
	[dreg:$0x11] =	wrdreg s28  }
0x18: {  	s18 =	sadd.s32 s17, s5;
	s21 =	sadd.s32 s20, s5;
	[dreg:$0x13] =	wrdreg s15  }
0x19: {  	s22 =	sadd.s32 $0x190, s10;
	s23 =	sadd.s32 s20, s4;
	[dreg:$0x4] =	wrdreg s18  }
0x1a: {  	s12 =	sadd.s32 s5, s26;
	s8 =	sadd.s32 s5, s11;
	[dreg:$0x6] =	wrdreg s21  }
0x1b: {  	s24 =	sshrl.u32 s22, $0x3;
	[dreg:$0x7] =	wrdreg s23;
	s28 =	sadd.s32 $0x140, s10  }
0x1c: {  	s22 =	simm.s32 $0x200;
	s10 =	simm.s32 $0x7C00;
	[dreg:$0x12] =	wrdreg s12  }
0x1d: {  	s11 =	simm.s32 $0x9;
	s15 =	simm.s32 $0x6;
	[dreg:$0x14] =	wrdreg s8  }
0x1e: {  	s8 =	sadd.s32 s17, s4;
	s25 =	sadd.s32 s24, s5;
	[dreg:$0x17] =	wrdreg s28  }
0x1f: {  	s26 =	sadd.s32 s24, s4;
	s24 =	simm.s32 $0x280;
	[dreg:$0x5] =	wrdreg s8  }
0x20: {  	s12 =	simm.s32 $0x5;
	s17 =	simm.s32 $0x8;
	[dreg:$0x8] =	wrdreg s25  }
0x21: {  	[dreg:$0x9] =	wrdreg s26;
	s26 =	simm.s32 $0x2C00;
	s8 =	simm.s32 $0x0  }
.LBB2_1:
0x22: {  	[dreg:$0x18] =	wrdreg s8  }
0x23: {  	s2 =	rddreg [dreg:$0xb]  }
0x24: {  	s28 =	rddreg [dreg:$0xa];
	s25 =	sshrl.u32 s2, $0x3  }
0x25: {  	[dreg:$0x19] =	wrdreg s25  }
0x26: {  	[spmem:s25], [sflag:s9] =	dma.local [hbm:s28], $0x2780  }
0x27: {  	_ =	swait.ge [sflag:s7], $0x2780  }
0x28: {  	[sflag:s7] =	ssyncset.done $0x0  }
0x29: {  	[sflag:s7] =	ssyncadd.s32 $0xFFFFD880  }
0x2a: {  	[bflag:$0x0] =	sbarrier.arrive $0xFFFF  }
0x2b: {  	s8 =	rddreg [dreg:$0xd]  }
0x2c: {  	[tilespmem:s3], [sflag:$0x1] =	stream.linear.gather [hbm4b:s8+s3], $0x50, $0x38;
	[tilespmem:$0x1E000] =	vst v63  }
0x2d: {  	s9 =	rddreg [dreg:$0xe]  }
0x2e: {  	[tilespmem:s22], [sflag:$0x5] =	stream.linear.gather [hbm4b:s9+s3], $0x50, $0x38;
	[tilespmem:$0x1E000] =	vst v63  }
0x2f: {  	s7 =	simm.s32 $0x80;
	s18 =	rddreg [dreg:$0xf]  }
0x30: {  	[tilespmem:s7], [sflag:$0x2] =	stream.linear.gather [hbm4b:s18+s3], $0x50, $0x38;
	[tilespmem:$0x1E000] =	vst v63  }
0x31: {  	s19 =	rddreg [dreg:$0x10]  }
0x32: {  	[tilespmem:s24], [sflag:$0x6] =	stream.linear.gather [hbm4b:s19+s3], $0x50, $0x38;
	[tilespmem:$0x1E000] =	vst v63  }
0x33: {  	s20 =	rddreg [dreg:$0x11];
	s8 =	simm.s32 $0x100  }
0x34: {  	[tilespmem:s8], [sflag:$0x3] =	stream.linear.gather [hbm4b:s20+s3], $0x50, $0x38;
	[tilespmem:$0x1E000] =	vst v63  }
0x35: {  	s23 =	simm.s32 $0x300;
	s21 =	rddreg [dreg:$0x12]  }
0x36: {  	[tilespmem:s23], [sflag:$0x7] =	stream.linear.gather [hbm4b:s21+s3], $0x50, $0x38;
	[tilespmem:$0x1E000] =	vst v63  }
0x37: {  	s28 =	simm.s32 $0x180;
	s25 =	rddreg [dreg:$0x13]  }
0x38: {  	[tilespmem:s28], [sflag:$0x4] =	stream.linear.gather [hbm4b:s25+s3], $0x50, $0x38;
	[tilespmem:$0x1E000] =	vst v63  }
0x39: {  	s18 =	rddreg [dreg:$0x14]  }
0x3a: {  	[tilespmem:s29], [sflag:$0x8] =	stream.linear.gather [hbm4b:s18+s3], $0x50, $0x38;
	[tilespmem:$0x1E000] =	vst v63  }
0x3b: {  	_ =	swait.ge [sflag:s30], $0x50  }
0x3c: {  	[sflag:s30] =	ssyncset.done $0x0  }
0x3d: {  	s19 =	simm.s32 $0x2;
	[sflag:s30] =	ssyncadd.s32 $0xFFFFFFB0  }
0x3e: {  	[tilespmem:s0], [sflag:$0x9] =	stream.indirect.gather [hbm4b:s6+s31], $0x80, s3, s31, $0xb8;
	[tilespmem:$0x1E000] =	vst v63  }
0x3f: {  	_ =	swait.ge [sflag:s19], $0x50  }
0x40: {  	[sflag:s19] =	ssyncset.done $0x0  }
0x41: {  	s20 =	simm.s32 $0x3;
	[sflag:s19] =	ssyncadd.s32 $0xFFFFFFB0  }
0x42: {  	[tilespmem:s26], [sflag:$0xA] =	stream.indirect.gather [hbm4b:s6+s31], $0x80, s7, s31, $0xb8;
	[tilespmem:$0x1E000] =	vst v63  }
0x43: {  	_ =	swait.ge [sflag:s20], $0x50  }
0x44: {  	[sflag:s20] =	ssyncset.done $0x0  }
0x45: {  	s21 =	simm.s32 $0x5400;
	s23 =	simm.s32 $0x4;
	[sflag:s20] =	ssyncadd.s32 $0xFFFFFFB0  }
0x46: {  	[tilespmem:s21], [sflag:$0xB] =	stream.indirect.gather [hbm4b:s6+s31], $0x80, s8, s31, $0xb8;
	[tilespmem:$0x1E000] =	vst v63  }
0x47: {  	_ =	swait.ge [sflag:s23], $0x50  }
0x48: {  	[sflag:s23] =	ssyncset.done $0x0  }
0x49: {  	[sflag:s23] =	ssyncadd.s32 $0xFFFFFFB0  }
0x4a: {  	[tilespmem:s10], [sflag:$0xC] =	stream.indirect.gather [hbm4b:s6+s31], $0x80, s28, s31, $0xb8;
	[tilespmem:$0x1E000] =	vst v63  }
0x4b: {  	_ =	swait.ge [sflag:s11], $0x2800  }
0x4c: {  	[sflag:s11] =	ssyncset.done $0x0  }
0x4d: {  	[sflag:s11] =	ssyncadd.s32 $0xFFFFD800  }
0x4e: {  	_ =	swait.ge [sflag:s12], $0x50  }
0x4f: {  	[sflag:s12] =	ssyncset.done $0x0;
	s20 =	rddreg [dreg:$0x17]  }
0x50: {  	[sflag:s12] =	ssyncadd.s32 $0xFFFFFFB0;
	s25 =	sshrl.u32 s20, $0x3  }
0x51: {  	[spmem:s1] =	stream.indirect.scatter.add.f32 [tilespmem:s0], [sflag:$0xD], $0x80, s22, s31, $0xb8;
	[tilespmem:$0x1E000] =	vst v63  }
0x52: {  	s28 =	sadd.s32 s4, s25  }
0x53: {  	[tilespmem:s3], [sflag:$0x1] =	stream.linear.gather [hbm4b:s28+s3], $0x50, $0x38;
	[tilespmem:$0x1E000] =	vst v63  }
0x54: {  	_ =	swait.ge [sflag:s13], $0x2800  }
0x55: {  	[sflag:s13] =	ssyncset.done $0x0  }
0x56: {  	s2 =	sadd.s32 s5, s25;
	[sflag:s13] =	ssyncadd.s32 $0xFFFFD800  }
0x57: {  	[tilespmem:s22], [sflag:$0x5] =	stream.linear.gather [hbm4b:s2+s3], $0x50, $0x38;
	[tilespmem:$0x1E000] =	vst v63  }
0x58: {  	_ =	swait.ge [sflag:s30], $0x50  }
0x59: {  	[sflag:s30] =	ssyncset.done $0x0  }
0x5a: {  	[sflag:s30] =	ssyncadd.s32 $0xFFFFFFB0  }
0x5b: {  	[tilespmem:s0], [sflag:$0x9] =	stream.indirect.gather [hbm4b:s6+s31], $0x80, s3, s31, $0xb8;
	[tilespmem:$0x1E000] =	vst v63  }
0x5c: {  	_ =	swait.ge [sflag:s14], $0x2800  }
0x5d: {  	[sflag:s14] =	ssyncset.done $0x0  }
0x5e: {  	[sflag:s14] =	ssyncadd.s32 $0xFFFFD800  }
0x5f: {  	_ =	swait.ge [sflag:s15], $0x50  }
0x60: {  	p0 =	por $0x0, $0x0;
	[sflag:s15] =	ssyncset.done $0x0  }
0x61: {  	s2 =	simm.s32 @p0 $0xB;
	[sflag:s15] =	ssyncadd.s32 $0xFFFFFFB0  }
0x62: {  	[spmem:s1] =	stream.indirect.scatter.add.f32 [tilespmem:s26], [sflag:$0xE], $0x80, s24, s31, $0xb8;
	[tilespmem:$0x1E000] =	vst v63  }
0x63: {  	_ =	swait.ge @p0 [sflag:s2], $0x2800  }
0x64: {  	[sflag:s2] =	ssyncset.done @p0 $0x0  }
0x65: {  	s7 =	simm.s32 @p0 $0x7;
	[sflag:s2] =	ssyncadd.s32 @p0 $0xFFFFD800  }
0x66: {  	s18 =	simm.s32 @p0 $0x5400;
	_ =	swait.ge @p0 [sflag:s7], $0x50  }
0x67: {  	s8 =	simm.s32 @p0 $0x300;
	s23 =	simm.s32 @p0 $0x50;
	[sflag:s7] =	ssyncset.done @p0 $0x0  }
0x68: {  	s2 =	simm.s32 @!p0 $0x0;
	s19 =	rddreg [dreg:$0x9];
	[sflag:s7] =	ssyncadd.s32 @p0 $0xFFFFFFB0  }
0x69: {  	[spmem:s1] =	stream.indirect.scatter.add.f32 @p0 [tilespmem:s18], [sflag:$0xF], $0x80, s8, s23, $0xb8;
	[tilespmem:$0x1E000] =	vst v63  }
0x6a: {  	s7 =	simm.s32 @!p0 $0x80;
	s8 =	sadd.s32 @!p0 $0x0, s19;
	s18 =	simm.s32 @!p0 $0xE  }
0x6b: {  	[tilespmem:s7], [sflag:$0x2] =	stream.linear.gather @!p0 [hbm4b:s8+s2], $0x50, $0x38;
	[tilespmem:$0x1E000] =	vst v63  }
0x6c: {  	_ =	swait.ge @!p0 [sflag:s18], $0x2800  }
0x6d: {  	s19 =	simm.s32 @!p0 $0x2;
	s8 =	rddreg [dreg:$0x8];
	[sflag:s18] =	ssyncset.done @!p0 $0x0  }
0x6e: {  	[sflag:s18] =	ssyncadd.s32 @!p0 $0xFFFFD800;
	s18 =	simm.s32 @!p0 $0x280;
	s8 =	sadd.s32 @!p0 $0x0, s8  }
0x6f: {  	[tilespmem:s18], [sflag:$0x6] =	stream.linear.gather @!p0 [hbm4b:s8+s2], $0x50, $0x38;
	[tilespmem:$0x1E000] =	vst v63  }
0x70: {  	_ =	swait.ge @!p0 [sflag:s19], $0x50  }
0x71: {  	s8 =	simm.s32 @!p0 $0x50;
	[sflag:s19] =	ssyncset.done @!p0 $0x0  }
0x72: {  	s18 =	simm.s32 @!p0 $0x2C00;
	[sflag:s19] =	ssyncadd.s32 @!p0 $0xFFFFFFB0;
	s19 =	simm.s32 @!p0 $0xB  }
0x73: {  	[tilespmem:s18], [sflag:$0xA] =	stream.indirect.gather @!p0 [hbm4b:s6+s8], $0x80, s7, s8, $0xb8;
	[tilespmem:$0x1E000] =	vst v63  }
0x74: {  	_ =	swait.ge @!p0 [sflag:s19], $0x2800  }
0x75: {  	[sflag:s19] =	ssyncset.done @!p0 $0x0  }
0x76: {  	s7 =	simm.s32 @!p0 $0x7;
	[sflag:s19] =	ssyncadd.s32 @!p0 $0xFFFFD800  }
0x77: {  	_ =	swait.ge @!p0 [sflag:s7], $0x50  }
0x78: {  	s23 =	simm.s32 @!p0 $0x300;
	[sflag:s7] =	ssyncset.done @!p0 $0x0  }
0x79: {  	s19 =	simm.s32 @!p0 $0x5400;
	s18 =	rddreg [dreg:$0x7];
	[sflag:s7] =	ssyncadd.s32 @!p0 $0xFFFFFFB0  }
0x7a: {  	[spmem:s1] =	stream.indirect.scatter.add.f32 @!p0 [tilespmem:s19], [sflag:$0xF], $0x80, s23, s8, $0xb8;
	[tilespmem:$0x1E000] =	vst v63  }
0x7b: {  	s9 =	simm.s32 @!p0 $0xF;
	s7 =	simm.s32 @!p0 $0x100;
	s18 =	sadd.s32 @!p0 $0x0, s18  }
0x7c: {  	[tilespmem:s7], [sflag:$0x3] =	stream.linear.gather @!p0 [hbm4b:s18+s2], $0x50, $0x38;
	[tilespmem:$0x1E000] =	vst v63  }
0x7d: {  	_ =	swait.ge @!p0 [sflag:s9], $0x2800  }
0x7e: {  	s18 =	rddreg [dreg:$0x6];
	[sflag:s9] =	ssyncset.done @!p0 $0x0  }
0x7f: {  	[sflag:s9] =	ssyncadd.s32 @!p0 $0xFFFFD800;
	s9 =	sadd.s32 @!p0 $0x0, s18  }
0x80: {  	[tilespmem:s23], [sflag:$0x7] =	stream.linear.gather @!p0 [hbm4b:s9+s2], $0x50, $0x38;
	[tilespmem:$0x1E000] =	vst v63  }
0x81: {  	s9 =	simm.s32 @!p0 $0x3  }
0x82: {  	_ =	swait.ge @!p0 [sflag:s9], $0x50  }
0x83: {  	[sflag:s9] =	ssyncset.done @!p0 $0x0  }
0x84: {  	[sflag:s9] =	ssyncadd.s32 @!p0 $0xFFFFFFB0  }
0x85: {  	[tilespmem:s19], [sflag:$0xB] =	stream.indirect.gather @!p0 [hbm4b:s6+s8], $0x80, s7, s8, $0xb8;
	[tilespmem:$0x1E000] =	vst v63  }
0x86: {  	_ =	swait.ge [sflag:s16], $0x2800  }
0x87: {  	[sflag:s16] =	ssyncset.done $0x0  }
0x88: {  	[sflag:s16] =	ssyncadd.s32 $0xFFFFD800  }
0x89: {  	_ =	swait.ge [sflag:s17], $0x50  }
0x8a: {  	[sflag:s17] =	ssyncset.done $0x0  }
0x8b: {  	s7 =	rddreg [dreg:$0x5];
	[sflag:s17] =	ssyncadd.s32 $0xFFFFFFB0  }
0x8c: {  	[spmem:s1] =	stream.indirect.scatter.add.f32 [tilespmem:s10], [sflag:$0x10], $0x80, s29, s31, $0xb8;
	[tilespmem:$0x1E000] =	vst v63  }
0x8d: {  	s18 =	simm.s32 @!p0 $0x10;
	s9 =	simm.s32 @!p0 $0x180;
	s7 =	sadd.s32 @!p0 $0x0, s7  }
0x8e: {  	[tilespmem:s9], [sflag:$0x4] =	stream.linear.gather @!p0 [hbm4b:s7+s2], $0x50, $0x38;
	[tilespmem:$0x1E000] =	vst v63  }
0x8f: {  	_ =	swait.ge @!p0 [sflag:s18], $0x2800  }
0x90: {  	s7 =	rddreg [dreg:$0x4];
	[sflag:s18] =	ssyncset.done @!p0 $0x0  }
0x91: {  	[sflag:s18] =	ssyncadd.s32 @!p0 $0xFFFFD800;
	s18 =	simm.s32 @!p0 $0x380;
	s7 =	sadd.s32 @!p0 $0x0, s7  }
0x92: {  	[tilespmem:s18], [sflag:$0x8] =	stream.linear.gather @!p0 [hbm4b:s7+s2], $0x50, $0x38;
	[tilespmem:$0x1E000] =	vst v63  }
0x93: {  	s2 =	simm.s32 @!p0 $0x4  }
0x94: {  	_ =	swait.ge @!p0 [sflag:s2], $0x50  }
0x95: {  	[sflag:s2] =	ssyncset.done @!p0 $0x0  }
0x96: {  	[sflag:s2] =	ssyncadd.s32 @!p0 $0xFFFFFFB0;
	s2 =	simm.s32 @!p0 $0x7C00  }
0x97: {  	[tilespmem:s2], [sflag:$0xC] =	stream.indirect.gather @!p0 [hbm4b:s6+s8], $0x80, s9, s8, $0xb8;
	[tilespmem:$0x1E000] =	vst v63  }
0x98: {  	_ =	swait.ge [sflag:s11], $0x2800  }
0x99: {  	[sflag:s11] =	ssyncset.done $0x0  }
0x9a: {  	[sflag:s11] =	ssyncadd.s32 $0xFFFFD800  }
0x9b: {  	s7 =	sadd.s32 $0x140, s20;
	_ =	swait.ge [sflag:s12], $0x50  }
0x9c: {  	s2 =	simm.s32 $0x28;
	s8 =	simm.s32 $0x50;
	[sflag:s12] =	ssyncset.done $0x0  }
.LBB2_2:
0x9d: {  	s9 =	sshrl.u32 s7, $0x3;
	[sflag:s12] =	ssyncadd.s32 $0xFFFFFFB0  }
0x9e: {  	[spmem:s1] =	stream.indirect.scatter.add.f32 [tilespmem:s0], [sflag:$0xD], $0x80, s22, s31, $0xb8;
	[tilespmem:$0x1E000] =	vst v63  }
0x9f: {  	s19 =	sadd.s32 s4, s9  }
0xa0: {  	[tilespmem:s3], [sflag:$0x1] =	stream.linear.gather [hbm4b:s19+s3], $0x50, $0x38;
	[tilespmem:$0x1E000] =	vst v63  }
0xa1: {  	_ =	swait.ge [sflag:s13], $0x2800  }
0xa2: {  	[sflag:s13] =	ssyncset.done $0x0  }
0xa3: {  	s9 =	sadd.s32 s5, s9;
	[sflag:s13] =	ssyncadd.s32 $0xFFFFD800  }
0xa4: {  	[tilespmem:s22], [sflag:$0x5] =	stream.linear.gather [hbm4b:s9+s3], $0x50, $0x38;
	[tilespmem:$0x1E000] =	vst v63  }
0xa5: {  	_ =	swait.ge [sflag:s30], $0x50  }
0xa6: {  	[sflag:s30] =	ssyncset.done $0x0  }
0xa7: {  	[sflag:s30] =	ssyncadd.s32 $0xFFFFFFB0  }
0xa8: {  	[tilespmem:s0], [sflag:$0x9] =	stream.indirect.gather [hbm4b:s6+s31], $0x80, s3, s31, $0xb8;
	[tilespmem:$0x1E000] =	vst v63  }
0xa9: {  	_ =	swait.ge [sflag:s14], $0x2800  }
0xaa: {  	[sflag:s14] =	ssyncset.done $0x0  }
0xab: {  	[sflag:s14] =	ssyncadd.s32 $0xFFFFD800  }
0xac: {  	_ =	swait.ge [sflag:s15], $0x50  }
0xad: {  	p1 =	seq.s32 s2, $0x4B0;
	[sflag:s15] =	ssyncset.done $0x0  }
0xae: {  	s9 =	simm.s32 @p1 $0xB;
	[sflag:s15] =	ssyncadd.s32 $0xFFFFFFB0  }
0xaf: {  	[spmem:s1] =	stream.indirect.scatter.add.f32 [tilespmem:s26], [sflag:$0xE], $0x80, s24, s31, $0xb8;
	[tilespmem:$0x1E000] =	vst v63  }
0xb0: {  	_ =	swait.ge @p1 [sflag:s9], $0x2800  }
0xb1: {  	[sflag:s9] =	ssyncset.done @p1 $0x0  }
0xb2: {  	s19 =	simm.s32 @p1 $0x7;
	[sflag:s9] =	ssyncadd.s32 @p1 $0xFFFFD800  }
0xb3: {  	s20 =	simm.s32 @p1 $0x5400;
	_ =	swait.ge @p1 [sflag:s19], $0x50  }
0xb4: {  	s21 =	simm.s32 @p1 $0x50;
	s23 =	simm.s32 @!p1 $0x0;
	[sflag:s19] =	ssyncset.done @p1 $0x0  }
0xb5: {  	s9 =	simm.s32 @p1 $0x300;
	s28 =	rddreg [dreg:$0x9];
	[sflag:s19] =	ssyncadd.s32 @p1 $0xFFFFFFB0  }
0xb6: {  	[spmem:s1] =	stream.indirect.scatter.add.f32 @p1 [tilespmem:s20], [sflag:$0xF], $0x80, s9, s21, $0xb8;
	[tilespmem:$0x1E000] =	vst v63  }
0xb7: {  	s25 =	simm.s32 @!p1 $0x80;
	s19 =	simm.s32 @!p1 $0xE;
	s9 =	sadd.s32 @!p1 s2, s28  }
0xb8: {  	[tilespmem:s25], [sflag:$0x2] =	stream.linear.gather @!p1 [hbm4b:s9+s23], $0x50, $0x38;
	[tilespmem:$0x1E000] =	vst v63  }
0xb9: {  	_ =	swait.ge @!p1 [sflag:s19], $0x2800  }
0xba: {  	s20 =	simm.s32 @!p1 $0x2;
	[sflag:s19] =	ssyncset.done @!p1 $0x0;
	s9 =	rddreg [dreg:$0x8]  }
0xbb: {  	[sflag:s19] =	ssyncadd.s32 @!p1 $0xFFFFD800;
	s19 =	simm.s32 @!p1 $0x280;
	s9 =	sadd.s32 @!p1 s2, s9  }
0xbc: {  	[tilespmem:s19], [sflag:$0x6] =	stream.linear.gather @!p1 [hbm4b:s9+s23], $0x50, $0x38;
	[tilespmem:$0x1E000] =	vst v63  }
0xbd: {  	_ =	swait.ge @!p1 [sflag:s20], $0x50  }
0xbe: {  	s19 =	simm.s32 @!p1 $0x50;
	[sflag:s20] =	ssyncset.done @!p1 $0x0  }
0xbf: {  	s9 =	simm.s32 @!p1 $0x2C00;
	[sflag:s20] =	ssyncadd.s32 @!p1 $0xFFFFFFB0;
	s20 =	simm.s32 @!p1 $0xB  }
0xc0: {  	[tilespmem:s9], [sflag:$0xA] =	stream.indirect.gather @!p1 [hbm4b:s6+s19], $0x80, s25, s19, $0xb8;
	[tilespmem:$0x1E000] =	vst v63  }
0xc1: {  	_ =	swait.ge @!p1 [sflag:s20], $0x2800  }
0xc2: {  	[sflag:s20] =	ssyncset.done @!p1 $0x0  }
0xc3: {  	s9 =	simm.s32 @!p1 $0x7;
	[sflag:s20] =	ssyncadd.s32 @!p1 $0xFFFFD800  }
0xc4: {  	_ =	swait.ge @!p1 [sflag:s9], $0x50  }
0xc5: {  	s21 =	simm.s32 @!p1 $0x300;
	[sflag:s9] =	ssyncset.done @!p1 $0x0  }
0xc6: {  	s20 =	simm.s32 @!p1 $0x5400;
	s25 =	rddreg [dreg:$0x7];
	[sflag:s9] =	ssyncadd.s32 @!p1 $0xFFFFFFB0  }
0xc7: {  	[spmem:s1] =	stream.indirect.scatter.add.f32 @!p1 [tilespmem:s20], [sflag:$0xF], $0x80, s21, s19, $0xb8;
	[tilespmem:$0x1E000] =	vst v63  }
0xc8: {  	s28 =	simm.s32 @!p1 $0xF;
	s9 =	simm.s32 @!p1 $0x100;
	s25 =	sadd.s32 @!p1 s2, s25  }
0xc9: {  	[tilespmem:s9], [sflag:$0x3] =	stream.linear.gather @!p1 [hbm4b:s25+s23], $0x50, $0x38;
	[tilespmem:$0x1E000] =	vst v63  }
0xca: {  	_ =	swait.ge @!p1 [sflag:s28], $0x2800  }
0xcb: {  	[sflag:s28] =	ssyncset.done @!p1 $0x0;
	s25 =	rddreg [dreg:$0x6]  }
0xcc: {  	[sflag:s28] =	ssyncadd.s32 @!p1 $0xFFFFD800;
	s25 =	sadd.s32 @!p1 s2, s25;
	s28 =	simm.s32 @!p1 $0x3  }
0xcd: {  	[tilespmem:s21], [sflag:$0x7] =	stream.linear.gather @!p1 [hbm4b:s25+s23], $0x50, $0x38;
	[tilespmem:$0x1E000] =	vst v63  }
0xce: {  	_ =	swait.ge @!p1 [sflag:s28], $0x50  }
0xcf: {  	[sflag:s28] =	ssyncset.done @!p1 $0x0  }
0xd0: {  	[sflag:s28] =	ssyncadd.s32 @!p1 $0xFFFFFFB0  }
0xd1: {  	[tilespmem:s20], [sflag:$0xB] =	stream.indirect.gather @!p1 [hbm4b:s6+s19], $0x80, s9, s19, $0xb8;
	[tilespmem:$0x1E000] =	vst v63  }
0xd2: {  	_ =	swait.ge [sflag:s16], $0x2800  }
0xd3: {  	[sflag:s16] =	ssyncset.done $0x0  }
0xd4: {  	[sflag:s16] =	ssyncadd.s32 $0xFFFFD800  }
0xd5: {  	_ =	swait.ge [sflag:s17], $0x50  }
0xd6: {  	[sflag:s17] =	ssyncset.done $0x0  }
0xd7: {  	s9 =	rddreg [dreg:$0x5];
	[sflag:s17] =	ssyncadd.s32 $0xFFFFFFB0  }
0xd8: {  	[spmem:s1] =	stream.indirect.scatter.add.f32 [tilespmem:s10], [sflag:$0x10], $0x80, s29, s31, $0xb8;
	[tilespmem:$0x1E000] =	vst v63  }
0xd9: {  	s21 =	simm.s32 @!p1 $0x10;
	s20 =	simm.s32 @!p1 $0x180;
	s9 =	sadd.s32 @!p1 s2, s9  }
0xda: {  	[tilespmem:s20], [sflag:$0x4] =	stream.linear.gather @!p1 [hbm4b:s9+s23], $0x50, $0x38;
	[tilespmem:$0x1E000] =	vst v63  }
0xdb: {  	_ =	swait.ge @!p1 [sflag:s21], $0x2800  }
0xdc: {  	s25 =	simm.s32 @!p1 $0x4;
	[sflag:s21] =	ssyncset.done @!p1 $0x0;
	s9 =	rddreg [dreg:$0x4]  }
0xdd: {  	[sflag:s21] =	ssyncadd.s32 @!p1 $0xFFFFD800;
	s21 =	simm.s32 @!p1 $0x380;
	s9 =	sadd.s32 @!p1 s2, s9  }
0xde: {  	[tilespmem:s21], [sflag:$0x8] =	stream.linear.gather @!p1 [hbm4b:s9+s23], $0x50, $0x38;
	[tilespmem:$0x1E000] =	vst v63  }
0xdf: {  	_ =	swait.ge @!p1 [sflag:s25], $0x50  }
0xe0: {  	s18 =	smov.u32 s8;
	s8 =	sadd.s32 $0x28, s8;
	[sflag:s25] =	ssyncset.done @!p1 $0x0  }
0xe1: {  	p0 =	sne.s32 s8, $0x4D8;
	s9 =	simm.s32 @!p1 $0x7C00;
	[sflag:s25] =	ssyncadd.s32 @!p1 $0xFFFFFFB0  }
0xe2: {  	[tilespmem:s9], [sflag:$0xC] =	stream.indirect.gather @!p1 [hbm4b:s6+s19], $0x80, s20, s19, $0xb8;
	[tilespmem:$0x1E000] =	vst v63  }
.Ltmp0:
0xe3: {  	_ =	swait.ge [sflag:s11], $0x2800;
	(pc) =	sbr.rel @p0 .LBB2_2-.Ltmp0, $4  }
0xe4: {  	[sflag:s11] =	ssyncset.done $0x0  }
0xe5: {  	[sflag:s11] =	ssyncadd.s32 $0xFFFFD800  }
0xe6: {  	_ =	swait.ge [sflag:s12], $0x50  }
0xe7: {  	s7 =	sadd.s32 $0x140, s7;
	s2 =	smov.u32 s18;
	[sflag:s12] =	ssyncset.done $0x0  }
0xe8: {  	s7 =	sshrl.u32 s7, $0x3;
	[sflag:s12] =	ssyncadd.s32 $0xFFFFFFB0  }
0xe9: {  	[spmem:s1] =	stream.indirect.scatter.add.f32 [tilespmem:s0], [sflag:$0xD], $0x80, s22, s31, $0xb8;
	[tilespmem:$0x1E000] =	vst v63  }
0xea: {  	s8 =	sadd.s32 s4, s7  }
0xeb: {  	[tilespmem:s3], [sflag:$0x1] =	stream.linear.gather [hbm4b:s8+s3], $0x50, $0x38;
	[tilespmem:$0x1E000] =	vst v63  }
0xec: {  	_ =	swait.ge [sflag:s13], $0x2800  }
0xed: {  	[sflag:s13] =	ssyncset.done $0x0  }
0xee: {  	s7 =	sadd.s32 s5, s7;
	[sflag:s13] =	ssyncadd.s32 $0xFFFFD800  }
0xef: {  	[tilespmem:s22], [sflag:$0x5] =	stream.linear.gather [hbm4b:s7+s3], $0x50, $0x38;
	[tilespmem:$0x1E000] =	vst v63  }
0xf0: {  	_ =	swait.ge [sflag:s30], $0x50  }
0xf1: {  	[sflag:s30] =	ssyncset.done $0x0  }
0xf2: {  	[sflag:s30] =	ssyncadd.s32 $0xFFFFFFB0  }
0xf3: {  	[tilespmem:s0], [sflag:$0x9] =	stream.indirect.gather [hbm4b:s6+s31], $0x80, s3, s31, $0xb8;
	[tilespmem:$0x1E000] =	vst v63  }
0xf4: {  	_ =	swait.ge [sflag:s14], $0x2800  }
0xf5: {  	[sflag:s14] =	ssyncset.done $0x0  }
0xf6: {  	[sflag:s14] =	ssyncadd.s32 $0xFFFFD800  }
0xf7: {  	_ =	swait.ge [sflag:s15], $0x50  }
0xf8: {  	p0 =	seq.s32 s2, $0x4B0;
	[sflag:s15] =	ssyncset.done $0x0  }
0xf9: {  	s7 =	simm.s32 @p0 $0xB;
	[sflag:s15] =	ssyncadd.s32 $0xFFFFFFB0  }
0xfa: {  	[spmem:s1] =	stream.indirect.scatter.add.f32 [tilespmem:s26], [sflag:$0xE], $0x80, s24, s31, $0xb8;
	[tilespmem:$0x1E000] =	vst v63  }
0xfb: {  	_ =	swait.ge @p0 [sflag:s7], $0x2800  }
0xfc: {  	[sflag:s7] =	ssyncset.done @p0 $0x0  }
0xfd: {  	s8 =	simm.s32 @p0 $0x7;
	[sflag:s7] =	ssyncadd.s32 @p0 $0xFFFFD800  }
0xfe: {  	s9 =	simm.s32 @p0 $0x300;
	_ =	swait.ge @p0 [sflag:s8], $0x50  }
0xff: {  	s18 =	simm.s32 @p0 $0x5400;
	s20 =	simm.s32 @p0 $0x50;
	[sflag:s8] =	ssyncset.done @p0 $0x0  }
0x100: {  	s7 =	simm.s32 @!p0 $0x0;
	s19 =	rddreg [dreg:$0x9];
	[sflag:s8] =	ssyncadd.s32 @p0 $0xFFFFFFB0  }
0x101: {  	[spmem:s1] =	stream.indirect.scatter.add.f32 @p0 [tilespmem:s18], [sflag:$0xF], $0x80, s9, s20, $0xb8;
	[tilespmem:$0x1E000] =	vst v63  }
0x102: {  	s8 =	simm.s32 @!p0 $0x80;
	s9 =	sadd.s32 @!p0 s2, s19;
	s18 =	simm.s32 @!p0 $0xE  }
0x103: {  	[tilespmem:s8], [sflag:$0x2] =	stream.linear.gather @!p0 [hbm4b:s9+s7], $0x50, $0x38;
	[tilespmem:$0x1E000] =	vst v63  }
0x104: {  	_ =	swait.ge @!p0 [sflag:s18], $0x2800  }
0x105: {  	s19 =	simm.s32 @!p0 $0x2;
	s9 =	rddreg [dreg:$0x8];
	[sflag:s18] =	ssyncset.done @!p0 $0x0  }
0x106: {  	[sflag:s18] =	ssyncadd.s32 @!p0 $0xFFFFD800;
	s18 =	simm.s32 @!p0 $0x280;
	s9 =	sadd.s32 @!p0 s2, s9  }
0x107: {  	[tilespmem:s18], [sflag:$0x6] =	stream.linear.gather @!p0 [hbm4b:s9+s7], $0x50, $0x38;
	[tilespmem:$0x1E000] =	vst v63  }
0x108: {  	_ =	swait.ge @!p0 [sflag:s19], $0x50  }
0x109: {  	s9 =	simm.s32 @!p0 $0x50;
	[sflag:s19] =	ssyncset.done @!p0 $0x0  }
0x10a: {  	s18 =	simm.s32 @!p0 $0x2C00;
	[sflag:s19] =	ssyncadd.s32 @!p0 $0xFFFFFFB0;
	s19 =	simm.s32 @!p0 $0xB  }
0x10b: {  	[tilespmem:s18], [sflag:$0xA] =	stream.indirect.gather @!p0 [hbm4b:s6+s9], $0x80, s8, s9, $0xb8;
	[tilespmem:$0x1E000] =	vst v63  }
0x10c: {  	_ =	swait.ge @!p0 [sflag:s19], $0x2800  }
0x10d: {  	[sflag:s19] =	ssyncset.done @!p0 $0x0  }
0x10e: {  	s8 =	simm.s32 @!p0 $0x7;
	[sflag:s19] =	ssyncadd.s32 @!p0 $0xFFFFD800  }
0x10f: {  	_ =	swait.ge @!p0 [sflag:s8], $0x50  }
0x110: {  	s20 =	simm.s32 @!p0 $0x300;
	[sflag:s8] =	ssyncset.done @!p0 $0x0  }
0x111: {  	s19 =	simm.s32 @!p0 $0x5400;
	s18 =	rddreg [dreg:$0x7];
	[sflag:s8] =	ssyncadd.s32 @!p0 $0xFFFFFFB0  }
0x112: {  	[spmem:s1] =	stream.indirect.scatter.add.f32 @!p0 [tilespmem:s19], [sflag:$0xF], $0x80, s20, s9, $0xb8;
	[tilespmem:$0x1E000] =	vst v63  }
0x113: {  	s21 =	simm.s32 @!p0 $0xF;
	s8 =	simm.s32 @!p0 $0x100;
	s18 =	sadd.s32 @!p0 s2, s18  }
0x114: {  	[tilespmem:s8], [sflag:$0x3] =	stream.linear.gather @!p0 [hbm4b:s18+s7], $0x50, $0x38;
	[tilespmem:$0x1E000] =	vst v63  }
0x115: {  	_ =	swait.ge @!p0 [sflag:s21], $0x2800  }
0x116: {  	s18 =	rddreg [dreg:$0x6];
	[sflag:s21] =	ssyncset.done @!p0 $0x0  }
0x117: {  	[sflag:s21] =	ssyncadd.s32 @!p0 $0xFFFFD800;
	s18 =	sadd.s32 @!p0 s2, s18  }
0x118: {  	[tilespmem:s20], [sflag:$0x7] =	stream.linear.gather @!p0 [hbm4b:s18+s7], $0x50, $0x38;
	[tilespmem:$0x1E000] =	vst v63  }
0x119: {  	s18 =	simm.s32 @!p0 $0x3  }
0x11a: {  	_ =	swait.ge @!p0 [sflag:s18], $0x50  }
0x11b: {  	[sflag:s18] =	ssyncset.done @!p0 $0x0  }
0x11c: {  	[sflag:s18] =	ssyncadd.s32 @!p0 $0xFFFFFFB0  }
0x11d: {  	[tilespmem:s19], [sflag:$0xB] =	stream.indirect.gather @!p0 [hbm4b:s6+s9], $0x80, s8, s9, $0xb8;
	[tilespmem:$0x1E000] =	vst v63  }
0x11e: {  	_ =	swait.ge [sflag:s16], $0x2800  }
0x11f: {  	[sflag:s16] =	ssyncset.done $0x0  }
0x120: {  	[sflag:s16] =	ssyncadd.s32 $0xFFFFD800  }
0x121: {  	_ =	swait.ge [sflag:s17], $0x50  }
0x122: {  	[sflag:s17] =	ssyncset.done $0x0  }
0x123: {  	s8 =	rddreg [dreg:$0x5];
	[sflag:s17] =	ssyncadd.s32 $0xFFFFFFB0  }
0x124: {  	[spmem:s1] =	stream.indirect.scatter.add.f32 [tilespmem:s10], [sflag:$0x10], $0x80, s29, s31, $0xb8;
	[tilespmem:$0x1E000] =	vst v63  }
0x125: {  	s18 =	simm.s32 @!p0 $0x180;
	s19 =	simm.s32 @!p0 $0x10;
	s8 =	sadd.s32 @!p0 s2, s8  }
0x126: {  	[tilespmem:s18], [sflag:$0x4] =	stream.linear.gather @!p0 [hbm4b:s8+s7], $0x50, $0x38;
	[tilespmem:$0x1E000] =	vst v63  }
0x127: {  	_ =	swait.ge @!p0 [sflag:s19], $0x2800  }
0x128: {  	s8 =	rddreg [dreg:$0x4];
	[sflag:s19] =	ssyncset.done @!p0 $0x0  }
0x129: {  	[sflag:s19] =	ssyncadd.s32 @!p0 $0xFFFFD800;
	s2 =	sadd.s32 @!p0 s2, s8;
	s8 =	simm.s32 @!p0 $0x380  }
0x12a: {  	[tilespmem:s8], [sflag:$0x8] =	stream.linear.gather @!p0 [hbm4b:s2+s7], $0x50, $0x38;
	[tilespmem:$0x1E000] =	vst v63  }
0x12b: {  	s2 =	simm.s32 @!p0 $0x4  }
0x12c: {  	_ =	swait.ge @!p0 [sflag:s2], $0x50  }
0x12d: {  	[sflag:s2] =	ssyncset.done @!p0 $0x0  }
0x12e: {  	[sflag:s2] =	ssyncadd.s32 @!p0 $0xFFFFFFB0;
	s2 =	simm.s32 @!p0 $0x7C00  }
0x12f: {  	[tilespmem:s2], [sflag:$0xC] =	stream.indirect.gather @!p0 [hbm4b:s6+s9], $0x80, s18, s9, $0xb8;
	[tilespmem:$0x1E000] =	vst v63  }
0x130: {  	_ =	swait.ge [sflag:s11], $0x2800  }
0x131: {  	[sflag:s11] =	ssyncset.done $0x0  }
0x132: {  	[sflag:s11] =	ssyncadd.s32 $0xFFFFD800  }
0x133: {  	_ =	swait.ge [sflag:s12], $0x50  }
0x134: {  	[sflag:s12] =	ssyncset.done $0x0  }
0x135: {  	[sflag:s12] =	ssyncadd.s32 $0xFFFFFFB0  }
0x136: {  	[spmem:s1] =	stream.indirect.scatter.add.f32 [tilespmem:s0], [sflag:$0xD], $0x80, s22, s31, $0xb8;
	[tilespmem:$0x1E000] =	vst v63  }
0x137: {  	_ =	swait.ge [sflag:s13], $0x2800  }
0x138: {  	[sflag:s13] =	ssyncset.done $0x0  }
0x139: {  	s18 =	simm.s32 $0xE;
	[sflag:s13] =	ssyncadd.s32 $0xFFFFD800  }
0x13a: {  	_ =	swait.ge [sflag:s18], $0x2800  }
0x13b: {  	[sflag:s18] =	ssyncset.done $0x0  }
0x13c: {  	s19 =	simm.s32 $0xF;
	[sflag:s18] =	ssyncadd.s32 $0xFFFFD800  }
0x13d: {  	_ =	swait.ge [sflag:s19], $0x2800  }
0x13e: {  	[sflag:s19] =	ssyncset.done $0x0  }
0x13f: {  	s20 =	simm.s32 $0x10;
	[sflag:s19] =	ssyncadd.s32 $0xFFFFD800  }
0x140: {  	_ =	swait.ge [sflag:s20], $0x2800  }
0x141: {  	[sflag:s20] =	ssyncset.done $0x0  }
0x142: {  	[sflag:s20] =	ssyncadd.s32 $0xFFFFD800  }
0x143: {  	[bflag:$0x0] =	sbarrier.arrive $0xFFFF  }
0x144: {  	s9 =	rddreg [dreg:$0xc]  }
0x145: {  	s21 =	rddreg [dreg:$0x15]  }
0x146: {  	s7 =	simm.s32 $0x11;
	s23 =	rddreg [dreg:$0x19]  }
0x147: {  	[hbm:s21], [sflag:s9] =	dma.local [spmem:s23], $0x2780  }
0x148: {  	_ =	swait.ge [sflag:s7], $0x2780  }
0x149: {  	s25 =	rddreg [dreg:$0x18]  }
0x14a: {  	s28 =	rddreg [dreg:$0x16];
	s8 =	sadd.s32 $0x1, s25  }
0x14b: {  	p0 =	sne.s32 s8, s28  }
.Ltmp1:
0x14c: {  	_ = 	snop;
	(pc) =	sbr.rel @p0 .LBB2_1-.Ltmp1, $3  }
0x14d: {  	_ =	sdelay $0x1  }
0x14e: {  	[sflag:s7] =	ssyncset.done $0x0  }
0x14f: {  	[sflag:s7] =	ssyncadd.s32 $0xFFFFD880  }
0x150: {  	_ =	sfence.sel $0x180000  }
0x151: {  	[bflag:$0x0] =	sbarrier.arrive $0xFFFF  }
0x152: {  	_ =	strace $0x9000004A  }
0x153: {  	s0 =	stileid.u32;
	[bflag:$0x2] =	sbarrier.arrive $0xFFFF  }
0x154: {  	p0 =	sne.s32 s0, $0x0;
	s0 =	rddreg [dreg:$0x3]  }
0x155: {  	s0 =	sadd.s32 @!p0 $0x100000, s0  }
0x156: {  	[sflag:s0] =	ssyncadd.tile.s32 @!p0 $0x1;
	_ =	shalt  }
.Lfunc_end2:
_tile_overlayer_lowered:
.L_overlay_start_2:
0x157: {  	(tag) =	ssettag $0x2  }
0x158: {  	s0 =	rddreg [dreg:$0x0];
	s2 =	stileid.u32  }
0x159: {  	s1 =	rddreg [dreg:$0x1];
	p0 =	sne.s32 s2, $0x0  }
0x15a: {  	s3 =	rddreg [dreg:$0x2];
	[bflag:$0x3] =	sbarrier.arrive $0xFFFF;
	s2 =	simm.s32 @!p0 $0x1C11  }
0x15b: {  	[timem:s3], [sflag:s2] =	dma.local @!p0 [hbm:s0], s1  }
0x15c: {  	s0 =	simm.s32 @!p0 $0x11  }
0x15d: {  	_ =	swait.ge @!p0 [sflag:s0], s1  }
0x15e: {  	s1 =	ssub.s32 @!p0 $0x0, s1;
	[sflag:s0] =	ssyncset.done @!p0 $0x0  }
0x15f: {  	[sflag:s0] =	ssyncadd.s32 @!p0 s1  }
0x160: {  	[bflag:$0x3] =	sbarrier.arrive $0xFFFF  }
0x161: {  	_ =	shalt  }

</sc_bundles>
